<compile_context>
chip_gen: v7x
topology: tpu7x:2x2x1
jax: 0.10.2.dev20260603
libtpu: 0.0.44.dev20260713+nightly
codegen_flags: <defaults>
</compile_context>

<pallas_src>
import functools

import jax
import jax.numpy as jnp
from jax import lax
from jax.experimental import pallas as pl
from jax.experimental.pallas import tpu as pltpu
from jax.experimental.pallas import tpu_sc as plsc

N = 10000
E = 320000
NT = 16
NPAD = 10240
EPT = E // NT
CHUNK = NPAD // NT
LAST = N - (NT - 1) * CHUNK
L = 16
ECE = 2000
PIECE = 128
NQ = CHUNK // PIECE
DELTA_T = 0.01
MU = 0.01

_mesh = plsc.VectorSubcoreMesh(
    core_axis_name="c", subcore_axis_name="s", num_cores=1
)


@functools.partial(
    pl.kernel,
    mesh=_mesh,
    out_type=jax.ShapeDtypeStruct((NPAD,), jnp.float32),
    scratch_types=[
        pltpu.VMEM((NPAD,), jnp.float32),
        pltpu.VMEM((EPT,), jnp.int32),
        pltpu.VMEM((EPT,), jnp.int32),
        pltpu.VMEM((EPT,), jnp.float32),
        pltpu.VMEM((NPAD,), jnp.float32),
        pltpu.VMEM((NPAD,), jnp.float32),
        pltpu.VMEM((NT, CHUNK), jnp.float32),
        pltpu.VMEM((CHUNK,), jnp.float32),
        pltpu.VMEM((CHUNK,), jnp.float32),
        pltpu.VMEM((CHUNK,), jnp.float32),
        pltpu.VMEM((CHUNK,), jnp.float32),
        pltpu.VMEM((CHUNK,), jnp.float32),
        pltpu.SemaphoreType.DMA,
        pltpu.VMEM_SHARED((NT, NPAD), jnp.float32),
        pltpu.VMEM_SHARED((NT, NPAD), jnp.float32),
        pltpu.VMEM_SHARED((NPAD,), jnp.float32),
    ],
    compiler_params=pltpu.CompilerParams(needs_layout_passes=False),
)
def _sc_loss(ut_hbm, u1_hbm, srcs_hbm, dsts_hbm, ea_hbm, out_hbm,
             u1_full, src_v, dst_v, ea_v, acc_s, acc_c,
             part_s, cnt_c, spat_c, ut_c, u1_c, loss_c,
             dma_sem, sum_slots, cnt_slots, shared_vec):
    tid = lax.axis_index("s")
    ebase = pl.multiple_of(tid * EPT, 8)
    nbase = pl.multiple_of(tid * CHUNK, 8)

    zeros = jnp.zeros((L,), jnp.float32)
    ones = jnp.ones((L,), jnp.float32)
    iota = lax.iota(jnp.int32, L)

    wave1 = [
        pltpu.async_copy(srcs_hbm.at[pl.ds(ebase, EPT)], src_v, dma_sem),
        pltpu.async_copy(dsts_hbm.at[pl.ds(ebase, EPT)], dst_v, dma_sem),
        pltpu.async_copy(ea_hbm.at[pl.ds(ebase, EPT)], ea_v, dma_sem),
        pltpu.async_copy(u1_hbm, u1_full.at[pl.ds(0, N)], dma_sem),
    ]

    @pl.when(tid == NT - 1)
    def _tail_chunks():
        pltpu.sync_copy(ut_hbm.at[pl.ds(nbase, LAST)], ut_c.at[pl.ds(0, LAST)])
        pltpu.sync_copy(u1_hbm.at[pl.ds(nbase, LAST)], u1_c.at[pl.ds(0, LAST)])

    @pl.when(tid != NT - 1)
    def _full_chunks():
        pltpu.sync_copy(ut_hbm.at[pl.ds(nbase, CHUNK)], ut_c)
        pltpu.sync_copy(u1_hbm.at[pl.ds(nbase, CHUNK)], u1_c)

    @plsc.parallel_loop(0, NPAD // L, unroll=4)
    def _zero1(i):
        sl = pl.ds(pl.multiple_of(i * L, L), L)
        acc_s[sl] = zeros
        acc_c[sl] = zeros

    for c in wave1:
        c.wait()

    @plsc.parallel_loop(0, EPT // L, unroll=4)
    def _edge1(i):
        sl = pl.ds(pl.multiple_of(i * L, L), L)
        s = src_v[sl]
        d = dst_v[sl]
        r = 1.0 / ea_v[sl]
        ea_v[sl] = r
        us = plsc.load_gather(u1_full, [s])
        ud = plsc.load_gather(u1_full, [d])
        val = (ud - us) * r
        plsc.addupdate_scatter(acc_s, [d], val)
        plsc.addupdate_scatter(acc_c, [d], ones)

    pltpu.sync_copy(acc_s, sum_slots.at[tid])
    pltpu.sync_copy(acc_c, cnt_slots.at[tid])

    @plsc.parallel_loop(0, NPAD // L, unroll=4)
    def _zero2(i):
        sl = pl.ds(pl.multiple_of(i * L, L), L)
        acc_s[sl] = zeros

    plsc.subcore_barrier()

    pltpu.sync_copy(sum_slots.at[:, pl.ds(nbase, CHUNK)], part_s)

    @plsc.parallel_loop(0, CHUNK // L, unroll=2)
    def _red1s(j):
        sl = pl.ds(pl.multiple_of(j * L, L), L)
        s = part_s[0, sl]
        for p in range(1, NT):
            s = s + part_s[p, sl]
        spat_c[sl] = s

    pltpu.sync_copy(cnt_slots.at[:, pl.ds(nbase, CHUNK)], part_s)

    @plsc.parallel_loop(0, CHUNK // L, unroll=2)
    def _red1c(j):
        sl = pl.ds(pl.multiple_of(j * L, L), L)
        cv = part_s[0, sl]
        for p in range(1, NT):
            cv = cv + part_s[p, sl]
        cv = jnp.maximum(cv, 1.0)
        cnt_c[sl] = cv
        spat_c[sl] = spat_c[sl] / cv

    pltpu.sync_copy(spat_c, shared_vec.at[pl.ds(nbase, CHUNK)])
    plsc.subcore_barrier()
    pltpu.sync_copy(shared_vec, u1_full)

    @plsc.parallel_loop(0, EPT // L, unroll=4)
    def _edge2(i):
        sl = pl.ds(pl.multiple_of(i * L, L), L)
        s = src_v[sl]
        d = dst_v[sl]
        r = ea_v[sl]
        ss = plsc.load_gather(u1_full, [s])
        sd = plsc.load_gather(u1_full, [d])
        val = (sd - ss) * r
        plsc.addupdate_scatter(acc_s, [d], val)

    pltpu.sync_copy(acc_s, sum_slots.at[tid])
    plsc.subcore_barrier()

    pltpu.sync_copy(sum_slots.at[:, pl.ds(nbase, CHUNK)], part_s)

    @plsc.parallel_loop(0, CHUNK // L, unroll=2)
    def _fin(j):
        sl = pl.ds(pl.multiple_of(j * L, L), L)
        s2 = part_s[0, sl]
        for p in range(1, NT):
            s2 = s2 + part_s[p, sl]
        second = s2 / cnt_c[sl]
        temporal = (ut_c[sl] - u1_c[sl]) * (1.0 / DELTA_T)
        loss_c[sl] = temporal + spat_c[sl] * u1_c[sl] - MU * second

    pltpu.sync_copy(loss_c, out_hbm.at[pl.ds(nbase, CHUNK)])


def kernel(x_t, x_t1, edge_index, edge_attr):
    sel = jnp.zeros((4, 1), jnp.float32).at[0, 0].set(1.0)
    ea = (edge_attr @ sel)[:, 0]
    out = _sc_loss(x_t[:, 0], x_t1[:, 0],
                   edge_index[0], edge_index[1], ea)
    return out[:N]

# --- scband reference (transcript-rebuilt; emitter-appended) ---
"""Pipeline reference for scband-burger-dissipative-loss-operator-16939351015517 (READ-ONLY COPY).

The authoritative reference and input builder live on the scoring server;
editing this copy changes nothing except your own understanding.
"""

import jax, jax.numpy as jnp
import numpy as np

IDX_NODE = 0
IDX_EDGE = 0
DELTA_T = 0.01
MU = 0.01


def setup_inputs(seed: int = 0) -> dict:
    key = jax.random.key(seed)
    k1, k2, k3, k4 = jax.random.split(key, 4)
    N, E, D, DE = 10000, 320000, 128, 4
    x_t = jax.random.normal(k1, (N, D), dtype=jnp.float32)
    x_t1 = jax.random.normal(k2, (N, D), dtype=jnp.float32)
    edge_index = jax.random.randint(k3, (2, E), 0, N, dtype=jnp.int32)
    # edge_attr is used as a divisor (spatial spacing); keep it bounded away from 0
    edge_attr = jax.random.uniform(k4, (E, DE), minval=0.1, maxval=1.0, dtype=jnp.float32)
    return {"x_t": x_t, "x_t1": x_t1, "edge_index": edge_index, "edge_attr": edge_attr}


def _scatter_mean(vals, dst, num_segments):
    s = jax.ops.segment_sum(vals, dst, num_segments=num_segments)
    cnt = jax.ops.segment_sum(jnp.ones_like(vals), dst, num_segments=num_segments)
    return s / jnp.maximum(cnt, 1.0)


def _spatial_derivative(u, edge_index, ea, num_nodes):
    src = edge_index[0]
    dst = edge_index[1]
    # EdgeSpatialDerivative: (dest - src) / edge_attr
    local = (u[dst] - u[src]) / ea
    # NodeSpatialDerivative: scatter_mean over dst
    return _scatter_mean(local, dst, num_nodes)


def reference(x_t, x_t1, edge_index, edge_attr):
    N = x_t.shape[0]
    u_t = x_t[:, IDX_NODE]
    u_t1 = x_t1[:, IDX_NODE]
    ea = edge_attr[:, IDX_EDGE]
    # TemporalDerivativeOperator
    temporal = (u_t - u_t1) / DELTA_T
    # SpatialDerivativeOperator on graph_t_1
    spatial = _spatial_derivative(u_t1, edge_index, ea, N)
    # second-order: spatial derivative of the first-order field (column 0 of unsqueezed tensor)
    second = _spatial_derivative(spatial, edge_index, ea, N)
    loss = temporal + spatial * u_t1 - MU * second
    return loss

if __name__ == "__main__":
    import jax
    _d = setup_inputs()
    print(jax.jit(kernel)(*tuple(_d.values())))

</pallas_src>

<mosaic_0001>
#map = affine_map<(d0, d1) -> (0)>
module attributes {stable_mosaic.version = 14 : i64} {
  func.func @_sc_loss(%arg0: i32, %arg1: i32, %arg2: memref<10000xf32, #tpu.memory_space<hbm>>, %arg3: memref<10000xf32, #tpu.memory_space<hbm>>, %arg4: memref<320000xi32, #tpu.memory_space<hbm>>, %arg5: memref<320000xi32, #tpu.memory_space<hbm>>, %arg6: memref<320000xf32, #tpu.memory_space<hbm>>, %arg7: memref<10240xf32, #tpu.memory_space<hbm>>, %arg8: memref<10240xf32, #tpu.memory_space<vmem>>, %arg9: memref<20000xi32, #tpu.memory_space<vmem>>, %arg10: memref<20000xi32, #tpu.memory_space<vmem>>, %arg11: memref<20000xf32, #tpu.memory_space<vmem>>, %arg12: memref<10240xf32, #tpu.memory_space<vmem>>, %arg13: memref<10240xf32, #tpu.memory_space<vmem>>, %arg14: memref<16x640xf32, #tpu.memory_space<vmem>>, %arg15: memref<640xf32, #tpu.memory_space<vmem>>, %arg16: memref<640xf32, #tpu.memory_space<vmem>>, %arg17: memref<640xf32, #tpu.memory_space<vmem>>, %arg18: memref<640xf32, #tpu.memory_space<vmem>>, %arg19: memref<640xf32, #tpu.memory_space<vmem>>, %arg20: memref<!tpu.dma_semaphore, #tpu.memory_space<semaphore_mem>>, %arg21: memref<16x10240xf32, #tpu.memory_space<vmem_shared>>, %arg22: memref<16x10240xf32, #tpu.memory_space<vmem_shared>>, %arg23: memref<10240xf32, #tpu.memory_space<vmem_shared>>) attributes {dimension_semantics = [#tpu.dimension_semantics<core_parallel>, #tpu.dimension_semantics<subcore_parallel>], iteration_bounds = array<i64: 1, 16>, scalar_prefetch = 0 : i64, scratch_operands = 16 : i64, tpu.core_type = #tpu.core_type<sc_vector_subcore>, window_params = [{transform_indices = #map}, {transform_indices = #map}, {transform_indices = #map}, {transform_indices = #map}, {transform_indices = #map}, {transform_indices = #map}]} {
    %mul3A = arith.constant 20000 : i32
    %mul3A_0 = arith.muli %arg1, %mul3A : i32
    %multiple_of3A = tpu.assume_multiple %mul3A_0, 8 : i32
    %mul3A_1 = arith.constant 640 : i32
    %mul3A_2 = arith.muli %arg1, %mul3A_1 : i32
    %multiple_of3A_3 = tpu.assume_multiple %mul3A_2, 8 : i32
    %broadcast_in_dim3A = arith.constant 0.000000e+00 : f32
    %broadcast_in_dim3A_4 = vector.broadcast %broadcast_in_dim3A : f32 to vector<16xf32>
    %broadcast_in_dim3A_5 = arith.constant 1.000000e+00 : f32
    %broadcast_in_dim3A_6 = vector.broadcast %broadcast_in_dim3A_5 : f32 to vector<16xf32>
    %iota3A = tpu.iota {dimensions = array<i32: 0>} : vector<16xi32>
    %dma_start3A = tpu.memref_slice %arg4[%multiple_of3A] : memref<320000xi32, #tpu.memory_space<hbm>> -> memref<20000xi32, #tpu.memory_space<hbm>>
    %dma_start3A_7 = tpu.memref_slice %arg4[%multiple_of3A] : memref<320000xi32, #tpu.memory_space<hbm>> -> memref<20000xi32, #tpu.memory_space<hbm>>
    tpu.enqueue_dma source(%dma_start3A_7 : memref<20000xi32, #tpu.memory_space<hbm>>) target(%arg9 : memref<20000xi32, #tpu.memory_space<vmem>>) target_semaphore(%arg20 : memref<!tpu.dma_semaphore, #tpu.memory_space<semaphore_mem>>)
    %dma_start3A_8 = tpu.memref_slice %arg5[%multiple_of3A] : memref<320000xi32, #tpu.memory_space<hbm>> -> memref<20000xi32, #tpu.memory_space<hbm>>
    %dma_start3A_9 = tpu.memref_slice %arg5[%multiple_of3A] : memref<320000xi32, #tpu.memory_space<hbm>> -> memref<20000xi32, #tpu.memory_space<hbm>>
    tpu.enqueue_dma source(%dma_start3A_9 : memref<20000xi32, #tpu.memory_space<hbm>>) target(%arg10 : memref<20000xi32, #tpu.memory_space<vmem>>) target_semaphore(%arg20 : memref<!tpu.dma_semaphore, #tpu.memory_space<semaphore_mem>>)
    %dma_start3A_10 = tpu.memref_slice %arg6[%multiple_of3A] : memref<320000xf32, #tpu.memory_space<hbm>> -> memref<20000xf32, #tpu.memory_space<hbm>>
    %dma_start3A_11 = tpu.memref_slice %arg6[%multiple_of3A] : memref<320000xf32, #tpu.memory_space<hbm>> -> memref<20000xf32, #tpu.memory_space<hbm>>
    tpu.enqueue_dma source(%dma_start3A_11 : memref<20000xf32, #tpu.memory_space<hbm>>) target(%arg11 : memref<20000xf32, #tpu.memory_space<vmem>>) target_semaphore(%arg20 : memref<!tpu.dma_semaphore, #tpu.memory_space<semaphore_mem>>)
    %dma_start3A_12 = arith.constant 0 : i32
    %dma_start3A_13 = tpu.memref_slice %arg8[%dma_start3A_12] : memref<10240xf32, #tpu.memory_space<vmem>> -> memref<10000xf32, #tpu.memory_space<vmem>>
    %dma_start3A_14 = arith.constant 0 : i32
    %dma_start3A_15 = tpu.memref_slice %arg8[%dma_start3A_14] : memref<10240xf32, #tpu.memory_space<vmem>> -> memref<10000xf32, #tpu.memory_space<vmem>>
    tpu.enqueue_dma source(%arg3 : memref<10000xf32, #tpu.memory_space<hbm>>) target(%dma_start3A_15 : memref<10000xf32, #tpu.memory_space<vmem>>) target_semaphore(%arg20 : memref<!tpu.dma_semaphore, #tpu.memory_space<semaphore_mem>>)
    %eq3A = arith.constant 15 : i32
    %eq3A_16 = arith.cmpi eq, %arg1, %eq3A : i32
    %convert_element_type3A = arith.extui %eq3A_16 : i1 to i32
    %cond3A = arith.constant 0 : i32
    %cond3A_17 = arith.cmpi ne, %convert_element_type3A, %cond3A : i32
    scf.if %cond3A_17 {
      "tpu.region"() ({
        %run_scoped3A = tpu.sem_alloc : memref<!tpu.dma_semaphore, #tpu.memory_space<semaphore_mem>>
        %dma_start3A_53 = arith.constant 0 : i32
        %dma_start3A_54 = tpu.memref_slice %arg17[%dma_start3A_53] : memref<640xf32, #tpu.memory_space<vmem>> -> memref<400xf32, #tpu.memory_space<vmem>>
        %dma_start3A_55 = tpu.memref_slice %arg2[%multiple_of3A_3] : memref<10000xf32, #tpu.memory_space<hbm>> -> memref<400xf32, #tpu.memory_space<hbm>>
        %dma_start3A_56 = arith.constant 0 : i32
        %dma_start3A_57 = tpu.memref_slice %arg17[%dma_start3A_56] : memref<640xf32, #tpu.memory_space<vmem>> -> memref<400xf32, #tpu.memory_space<vmem>>
        %dma_start3A_58 = tpu.memref_slice %arg2[%multiple_of3A_3] : memref<10000xf32, #tpu.memory_space<hbm>> -> memref<400xf32, #tpu.memory_space<hbm>>
        tpu.enqueue_dma source(%dma_start3A_58 : memref<400xf32, #tpu.memory_space<hbm>>) target(%dma_start3A_57 : memref<400xf32, #tpu.memory_space<vmem>>) target_semaphore(%run_scoped3A : memref<!tpu.dma_semaphore, #tpu.memory_space<semaphore_mem>>)
        %dma_wait3A_59 = arith.constant 0 : i32
        %dma_wait3A_60 = tpu.memref_slice %arg17[%dma_wait3A_59] : memref<640xf32, #tpu.memory_space<vmem>> -> memref<400xf32, #tpu.memory_space<vmem>>
        %dma_wait3A_61 = tpu.memref_slice %arg2[%multiple_of3A_3] : memref<10000xf32, #tpu.memory_space<hbm>> -> memref<400xf32, #tpu.memory_space<hbm>>
        %dma_wait3A_62 = arith.constant 0 : i32
        %dma_wait3A_63 = tpu.memref_slice %arg17[%dma_wait3A_62] : memref<640xf32, #tpu.memory_space<vmem>> -> memref<400xf32, #tpu.memory_space<vmem>>
        %dma_wait3A_64 = tpu.memref_slice %arg2[%multiple_of3A_3] : memref<10000xf32, #tpu.memory_space<hbm>> -> memref<400xf32, #tpu.memory_space<hbm>>
        tpu.wait_dma2 semaphore(%run_scoped3A : memref<!tpu.dma_semaphore, #tpu.memory_space<semaphore_mem>>) src(%dma_wait3A_64 : memref<400xf32, #tpu.memory_space<hbm>>) dst(%dma_wait3A_63 : memref<400xf32, #tpu.memory_space<vmem>>)
        tpu.yield
      }) : () -> ()
      "tpu.region"() ({
        %run_scoped3A = tpu.sem_alloc : memref<!tpu.dma_semaphore, #tpu.memory_space<semaphore_mem>>
        %dma_start3A_53 = arith.constant 0 : i32
        %dma_start3A_54 = tpu.memref_slice %arg18[%dma_start3A_53] : memref<640xf32, #tpu.memory_space<vmem>> -> memref<400xf32, #tpu.memory_space<vmem>>
        %dma_start3A_55 = tpu.memref_slice %arg3[%multiple_of3A_3] : memref<10000xf32, #tpu.memory_space<hbm>> -> memref<400xf32, #tpu.memory_space<hbm>>
        %dma_start3A_56 = arith.constant 0 : i32
        %dma_start3A_57 = tpu.memref_slice %arg18[%dma_start3A_56] : memref<640xf32, #tpu.memory_space<vmem>> -> memref<400xf32, #tpu.memory_space<vmem>>
        %dma_start3A_58 = tpu.memref_slice %arg3[%multiple_of3A_3] : memref<10000xf32, #tpu.memory_space<hbm>> -> memref<400xf32, #tpu.memory_space<hbm>>
        tpu.enqueue_dma source(%dma_start3A_58 : memref<400xf32, #tpu.memory_space<hbm>>) target(%dma_start3A_57 : memref<400xf32, #tpu.memory_space<vmem>>) target_semaphore(%run_scoped3A : memref<!tpu.dma_semaphore, #tpu.memory_space<semaphore_mem>>)
        %dma_wait3A_59 = arith.constant 0 : i32
        %dma_wait3A_60 = tpu.memref_slice %arg18[%dma_wait3A_59] : memref<640xf32, #tpu.memory_space<vmem>> -> memref<400xf32, #tpu.memory_space<vmem>>
        %dma_wait3A_61 = tpu.memref_slice %arg3[%multiple_of3A_3] : memref<10000xf32, #tpu.memory_space<hbm>> -> memref<400xf32, #tpu.memory_space<hbm>>
        %dma_wait3A_62 = arith.constant 0 : i32
        %dma_wait3A_63 = tpu.memref_slice %arg18[%dma_wait3A_62] : memref<640xf32, #tpu.memory_space<vmem>> -> memref<400xf32, #tpu.memory_space<vmem>>
        %dma_wait3A_64 = tpu.memref_slice %arg3[%multiple_of3A_3] : memref<10000xf32, #tpu.memory_space<hbm>> -> memref<400xf32, #tpu.memory_space<hbm>>
        tpu.wait_dma2 semaphore(%run_scoped3A : memref<!tpu.dma_semaphore, #tpu.memory_space<semaphore_mem>>) src(%dma_wait3A_64 : memref<400xf32, #tpu.memory_space<hbm>>) dst(%dma_wait3A_63 : memref<400xf32, #tpu.memory_space<vmem>>)
        tpu.yield
      }) : () -> ()
    } else {
    }
    %ne3A = arith.constant 15 : i32
    %ne3A_18 = arith.cmpi ne, %arg1, %ne3A : i32
    %convert_element_type3A_19 = arith.extui %ne3A_18 : i1 to i32
    %cond3A_20 = arith.constant 0 : i32
    %cond3A_21 = arith.cmpi ne, %convert_element_type3A_19, %cond3A_20 : i32
    scf.if %cond3A_21 {
      "tpu.region"() ({
        %run_scoped3A = tpu.sem_alloc : memref<!tpu.dma_semaphore, #tpu.memory_space<semaphore_mem>>
        %dma_start3A_53 = tpu.memref_slice %arg2[%multiple_of3A_3] : memref<10000xf32, #tpu.memory_space<hbm>> -> memref<640xf32, #tpu.memory_space<hbm>>
        %dma_start3A_54 = tpu.memref_slice %arg2[%multiple_of3A_3] : memref<10000xf32, #tpu.memory_space<hbm>> -> memref<640xf32, #tpu.memory_space<hbm>>
        tpu.enqueue_dma source(%dma_start3A_54 : memref<640xf32, #tpu.memory_space<hbm>>) target(%arg17 : memref<640xf32, #tpu.memory_space<vmem>>) target_semaphore(%run_scoped3A : memref<!tpu.dma_semaphore, #tpu.memory_space<semaphore_mem>>)
        %dma_wait3A_55 = tpu.memref_slice %arg2[%multiple_of3A_3] : memref<10000xf32, #tpu.memory_space<hbm>> -> memref<640xf32, #tpu.memory_space<hbm>>
        %dma_wait3A_56 = tpu.memref_slice %arg2[%multiple_of3A_3] : memref<10000xf32, #tpu.memory_space<hbm>> -> memref<640xf32, #tpu.memory_space<hbm>>
        tpu.wait_dma2 semaphore(%run_scoped3A : memref<!tpu.dma_semaphore, #tpu.memory_space<semaphore_mem>>) src(%dma_wait3A_56 : memref<640xf32, #tpu.memory_space<hbm>>) dst(%arg17 : memref<640xf32, #tpu.memory_space<vmem>>)
        tpu.yield
      }) : () -> ()
      "tpu.region"() ({
        %run_scoped3A = tpu.sem_alloc : memref<!tpu.dma_semaphore, #tpu.memory_space<semaphore_mem>>
        %dma_start3A_53 = tpu.memref_slice %arg3[%multiple_of3A_3] : memref<10000xf32, #tpu.memory_space<hbm>> -> memref<640xf32, #tpu.memory_space<hbm>>
        %dma_start3A_54 = tpu.memref_slice %arg3[%multiple_of3A_3] : memref<10000xf32, #tpu.memory_space<hbm>> -> memref<640xf32, #tpu.memory_space<hbm>>
        tpu.enqueue_dma source(%dma_start3A_54 : memref<640xf32, #tpu.memory_space<hbm>>) target(%arg18 : memref<640xf32, #tpu.memory_space<vmem>>) target_semaphore(%run_scoped3A : memref<!tpu.dma_semaphore, #tpu.memory_space<semaphore_mem>>)
        %dma_wait3A_55 = tpu.memref_slice %arg3[%multiple_of3A_3] : memref<10000xf32, #tpu.memory_space<hbm>> -> memref<640xf32, #tpu.memory_space<hbm>>
        %dma_wait3A_56 = tpu.memref_slice %arg3[%multiple_of3A_3] : memref<10000xf32, #tpu.memory_space<hbm>> -> memref<640xf32, #tpu.memory_space<hbm>>
        tpu.wait_dma2 semaphore(%run_scoped3A : memref<!tpu.dma_semaphore, #tpu.memory_space<semaphore_mem>>) src(%dma_wait3A_56 : memref<640xf32, #tpu.memory_space<hbm>>) dst(%arg18 : memref<640xf32, #tpu.memory_space<vmem>>)
        tpu.yield
      }) : () -> ()
    } else {
    }
    %parallel_loop3A = arith.constant 0 : i32
    %parallel_loop3A_22 = arith.constant 640 : i32
    %parallel_loop3A_23 = arith.constant 1 : i32
    scf.for %parallel_loop3A_53 = %parallel_loop3A to %parallel_loop3A_22 step %parallel_loop3A_23  : i32 {
      %parallel_loop3A_54 = arith.constant 16 : i32
      %parallel_loop3A_55 = arith.muli %parallel_loop3A_53, %parallel_loop3A_54 : i32
      %parallel_loop3A_56 = tpu.assume_multiple %parallel_loop3A_55, 16 : i32
      %parallel_loop3A_57 = arith.index_cast %parallel_loop3A_56 : i32 to index
      %parallel_loop3A_58 = tpu.vector_load %arg12[%parallel_loop3A_57] {strides = array<i32>} : memref<10240xf32, #tpu.memory_space<vmem>>, vector<16xf32>,
      tpu.vector_store %arg12[%parallel_loop3A_57], %broadcast_in_dim3A_4 {strides = array<i32>} : memref<10240xf32, #tpu.memory_space<vmem>>, vector<16xf32>,
      %parallel_loop3A_59 = arith.index_cast %parallel_loop3A_56 : i32 to index
      %parallel_loop3A_60 = tpu.vector_load %arg13[%parallel_loop3A_59] {strides = array<i32>} : memref<10240xf32, #tpu.memory_space<vmem>>, vector<16xf32>,
      tpu.vector_store %arg13[%parallel_loop3A_59], %broadcast_in_dim3A_4 {strides = array<i32>} : memref<10240xf32, #tpu.memory_space<vmem>>, vector<16xf32>,
    } {sc.loop_unroll_factor = 4 : i64, sc.parallel_access}
    %dma_wait3A = tpu.memref_slice %arg4[%multiple_of3A] : memref<320000xi32, #tpu.memory_space<hbm>> -> memref<20000xi32, #tpu.memory_space<hbm>>
    %dma_wait3A_24 = tpu.memref_slice %arg4[%multiple_of3A] : memref<320000xi32, #tpu.memory_space<hbm>> -> memref<20000xi32, #tpu.memory_space<hbm>>
    tpu.wait_dma2 semaphore(%arg20 : memref<!tpu.dma_semaphore, #tpu.memory_space<semaphore_mem>>) src(%dma_wait3A_24 : memref<20000xi32, #tpu.memory_space<hbm>>) dst(%arg9 : memref<20000xi32, #tpu.memory_space<vmem>>)
    %dma_wait3A_25 = tpu.memref_slice %arg5[%multiple_of3A] : memref<320000xi32, #tpu.memory_space<hbm>> -> memref<20000xi32, #tpu.memory_space<hbm>>
    %dma_wait3A_26 = tpu.memref_slice %arg5[%multiple_of3A] : memref<320000xi32, #tpu.memory_space<hbm>> -> memref<20000xi32, #tpu.memory_space<hbm>>
    tpu.wait_dma2 semaphore(%arg20 : memref<!tpu.dma_semaphore, #tpu.memory_space<semaphore_mem>>) src(%dma_wait3A_26 : memref<20000xi32, #tpu.memory_space<hbm>>) dst(%arg10 : memref<20000xi32, #tpu.memory_space<vmem>>)
    %dma_wait3A_27 = tpu.memref_slice %arg6[%multiple_of3A] : memref<320000xf32, #tpu.memory_space<hbm>> -> memref<20000xf32, #tpu.memory_space<hbm>>
    %dma_wait3A_28 = tpu.memref_slice %arg6[%multiple_of3A] : memref<320000xf32, #tpu.memory_space<hbm>> -> memref<20000xf32, #tpu.memory_space<hbm>>
    tpu.wait_dma2 semaphore(%arg20 : memref<!tpu.dma_semaphore, #tpu.memory_space<semaphore_mem>>) src(%dma_wait3A_28 : memref<20000xf32, #tpu.memory_space<hbm>>) dst(%arg11 : memref<20000xf32, #tpu.memory_space<vmem>>)
    %dma_wait3A_29 = arith.constant 0 : i32
    %dma_wait3A_30 = tpu.memref_slice %arg8[%dma_wait3A_29] : memref<10240xf32, #tpu.memory_space<vmem>> -> memref<10000xf32, #tpu.memory_space<vmem>>
    %dma_wait3A_31 = arith.constant 0 : i32
    %dma_wait3A_32 = tpu.memref_slice %arg8[%dma_wait3A_31] : memref<10240xf32, #tpu.memory_space<vmem>> -> memref<10000xf32, #tpu.memory_space<vmem>>
    tpu.wait_dma2 semaphore(%arg20 : memref<!tpu.dma_semaphore, #tpu.memory_space<semaphore_mem>>) src(%arg3 : memref<10000xf32, #tpu.memory_space<hbm>>) dst(%dma_wait3A_32 : memref<10000xf32, #tpu.memory_space<vmem>>)
    %parallel_loop3A_33 = arith.constant 0 : i32
    %parallel_loop3A_34 = arith.constant 1250 : i32
    %parallel_loop3A_35 = arith.constant 1 : i32
    scf.for %parallel_loop3A_53 = %parallel_loop3A_33 to %parallel_loop3A_34 step %parallel_loop3A_35  : i32 {
      %parallel_loop3A_54 = arith.constant 16 : i32
      %parallel_loop3A_55 = arith.muli %parallel_loop3A_53, %parallel_loop3A_54 : i32
      %parallel_loop3A_56 = tpu.assume_multiple %parallel_loop3A_55, 16 : i32
      %parallel_loop3A_57 = arith.index_cast %parallel_loop3A_56 : i32 to index
      %parallel_loop3A_58 = tpu.vector_load %arg9[%parallel_loop3A_57] {strides = array<i32>} : memref<20000xi32, #tpu.memory_space<vmem>>, vector<16xi32>,
      %parallel_loop3A_59 = arith.index_cast %parallel_loop3A_56 : i32 to index
      %parallel_loop3A_60 = tpu.vector_load %arg10[%parallel_loop3A_59] {strides = array<i32>} : memref<20000xi32, #tpu.memory_space<vmem>>, vector<16xi32>,
      %parallel_loop3A_61 = arith.index_cast %parallel_loop3A_56 : i32 to index
      %parallel_loop3A_62 = tpu.vector_load %arg11[%parallel_loop3A_61] {strides = array<i32>} : memref<20000xf32, #tpu.memory_space<vmem>>, vector<16xf32>,
      %parallel_loop3A_63 = arith.constant 1.000000e+00 : f32
      %parallel_loop3A_64 = vector.broadcast %parallel_loop3A_63 : f32 to vector<16xf32>
      %parallel_loop3A_65 = arith.divf %parallel_loop3A_64, %parallel_loop3A_62 : vector<16xf32>
      %parallel_loop3A_66 = arith.index_cast %parallel_loop3A_56 : i32 to index
      %parallel_loop3A_67 = tpu.vector_load %arg11[%parallel_loop3A_66] {strides = array<i32>} : memref<20000xf32, #tpu.memory_space<vmem>>, vector<16xf32>,
      tpu.vector_store %arg11[%parallel_loop3A_66], %parallel_loop3A_65 {strides = array<i32>} : memref<20000xf32, #tpu.memory_space<vmem>>, vector<16xf32>,
      %parallel_loop3A_68 = tpu.vector_load_idx %arg8[%parallel_loop3A_58] : memref<10240xf32, #tpu.memory_space<vmem>>[vector<16xi32>], vector<16xf32>,
      %parallel_loop3A_69 = tpu.vector_load_idx %arg8[%parallel_loop3A_60] : memref<10240xf32, #tpu.memory_space<vmem>>[vector<16xi32>], vector<16xf32>,
      %parallel_loop3A_70 = arith.subf %parallel_loop3A_69, %parallel_loop3A_68 : vector<16xf32>
      %parallel_loop3A_71 = arith.mulf %parallel_loop3A_70, %parallel_loop3A_65 : vector<16xf32>
      tpu.vector_store_idx %arg12[%parallel_loop3A_60], %parallel_loop3A_71 {add = true} : memref<10240xf32, #tpu.memory_space<vmem>>[vector<16xi32>], vector<16xf32>,
      tpu.vector_store_idx %arg13[%parallel_loop3A_60], %broadcast_in_dim3A_6 {add = true} : memref<10240xf32, #tpu.memory_space<vmem>>[vector<16xi32>], vector<16xf32>,
    } {sc.loop_unroll_factor = 4 : i64, sc.parallel_access}
    "tpu.region"() ({
      %run_scoped3A = tpu.sem_alloc : memref<!tpu.dma_semaphore, #tpu.memory_space<semaphore_mem>>
      %dma_start3A_53 = arith.constant 0 : i32
      %dma_start3A_54 = tpu.memref_slice %arg21[%arg1, %dma_start3A_53] : memref<16x10240xf32, #tpu.memory_space<vmem_shared>> -> memref<1x10240xf32, #tpu.memory_space<vmem_shared>>
      %dma_start3A_55 = tpu.memref_squeeze %dma_start3A_54 : memref<1x10240xf32, #tpu.memory_space<vmem_shared>> -> memref<10240xf32, #tpu.memory_space<vmem_shared>>
      %dma_start3A_56 = arith.constant 0 : i32
      %dma_start3A_57 = tpu.memref_slice %arg21[%arg1, %dma_start3A_56] : memref<16x10240xf32, #tpu.memory_space<vmem_shared>> -> memref<1x10240xf32, #tpu.memory_space<vmem_shared>>
      %dma_start3A_58 = tpu.memref_squeeze %dma_start3A_57 : memref<1x10240xf32, #tpu.memory_space<vmem_shared>> -> memref<10240xf32, #tpu.memory_space<vmem_shared>>
      tpu.enqueue_dma source(%arg12 : memref<10240xf32, #tpu.memory_space<vmem>>) target(%dma_start3A_58 : memref<10240xf32, #tpu.memory_space<vmem_shared>>) target_semaphore(%run_scoped3A : memref<!tpu.dma_semaphore, #tpu.memory_space<semaphore_mem>>)
      %dma_wait3A_59 = arith.constant 0 : i32
      %dma_wait3A_60 = tpu.memref_slice %arg21[%arg1, %dma_wait3A_59] : memref<16x10240xf32, #tpu.memory_space<vmem_shared>> -> memref<1x10240xf32, #tpu.memory_space<vmem_shared>>
      %dma_wait3A_61 = tpu.memref_squeeze %dma_wait3A_60 : memref<1x10240xf32, #tpu.memory_space<vmem_shared>> -> memref<10240xf32, #tpu.memory_space<vmem_shared>>
      %dma_wait3A_62 = arith.constant 0 : i32
      %dma_wait3A_63 = tpu.memref_slice %arg21[%arg1, %dma_wait3A_62] : memref<16x10240xf32, #tpu.memory_space<vmem_shared>> -> memref<1x10240xf32, #tpu.memory_space<vmem_shared>>
      %dma_wait3A_64 = tpu.memref_squeeze %dma_wait3A_63 : memref<1x10240xf32, #tpu.memory_space<vmem_shared>> -> memref<10240xf32, #tpu.memory_space<vmem_shared>>
      tpu.wait_dma2 semaphore(%run_scoped3A : memref<!tpu.dma_semaphore, #tpu.memory_space<semaphore_mem>>) src(%arg12 : memref<10240xf32, #tpu.memory_space<vmem>>) dst(%dma_wait3A_64 : memref<10240xf32, #tpu.memory_space<vmem_shared>>)
      tpu.yield
    }) : () -> ()
    "tpu.region"() ({
      %run_scoped3A = tpu.sem_alloc : memref<!tpu.dma_semaphore, #tpu.memory_space<semaphore_mem>>
      %dma_start3A_53 = arith.constant 0 : i32
      %dma_start3A_54 = tpu.memref_slice %arg22[%arg1, %dma_start3A_53] : memref<16x10240xf32, #tpu.memory_space<vmem_shared>> -> memref<1x10240xf32, #tpu.memory_space<vmem_shared>>
      %dma_start3A_55 = tpu.memref_squeeze %dma_start3A_54 : memref<1x10240xf32, #tpu.memory_space<vmem_shared>> -> memref<10240xf32, #tpu.memory_space<vmem_shared>>
      %dma_start3A_56 = arith.constant 0 : i32
      %dma_start3A_57 = tpu.memref_slice %arg22[%arg1, %dma_start3A_56] : memref<16x10240xf32, #tpu.memory_space<vmem_shared>> -> memref<1x10240xf32, #tpu.memory_space<vmem_shared>>
      %dma_start3A_58 = tpu.memref_squeeze %dma_start3A_57 : memref<1x10240xf32, #tpu.memory_space<vmem_shared>> -> memref<10240xf32, #tpu.memory_space<vmem_shared>>
      tpu.enqueue_dma source(%arg13 : memref<10240xf32, #tpu.memory_space<vmem>>) target(%dma_start3A_58 : memref<10240xf32, #tpu.memory_space<vmem_shared>>) target_semaphore(%run_scoped3A : memref<!tpu.dma_semaphore, #tpu.memory_space<semaphore_mem>>)
      %dma_wait3A_59 = arith.constant 0 : i32
      %dma_wait3A_60 = tpu.memref_slice %arg22[%arg1, %dma_wait3A_59] : memref<16x10240xf32, #tpu.memory_space<vmem_shared>> -> memref<1x10240xf32, #tpu.memory_space<vmem_shared>>
      %dma_wait3A_61 = tpu.memref_squeeze %dma_wait3A_60 : memref<1x10240xf32, #tpu.memory_space<vmem_shared>> -> memref<10240xf32, #tpu.memory_space<vmem_shared>>
      %dma_wait3A_62 = arith.constant 0 : i32
      %dma_wait3A_63 = tpu.memref_slice %arg22[%arg1, %dma_wait3A_62] : memref<16x10240xf32, #tpu.memory_space<vmem_shared>> -> memref<1x10240xf32, #tpu.memory_space<vmem_shared>>
      %dma_wait3A_64 = tpu.memref_squeeze %dma_wait3A_63 : memref<1x10240xf32, #tpu.memory_space<vmem_shared>> -> memref<10240xf32, #tpu.memory_space<vmem_shared>>
      tpu.wait_dma2 semaphore(%run_scoped3A : memref<!tpu.dma_semaphore, #tpu.memory_space<semaphore_mem>>) src(%arg13 : memref<10240xf32, #tpu.memory_space<vmem>>) dst(%dma_wait3A_64 : memref<10240xf32, #tpu.memory_space<vmem_shared>>)
      tpu.yield
    }) : () -> ()
    %parallel_loop3A_36 = arith.constant 0 : i32
    %parallel_loop3A_37 = arith.constant 640 : i32
    %parallel_loop3A_38 = arith.constant 1 : i32
    scf.for %parallel_loop3A_53 = %parallel_loop3A_36 to %parallel_loop3A_37 step %parallel_loop3A_38  : i32 {
      %parallel_loop3A_54 = arith.constant 16 : i32
      %parallel_loop3A_55 = arith.muli %parallel_loop3A_53, %parallel_loop3A_54 : i32
      %parallel_loop3A_56 = tpu.assume_multiple %parallel_loop3A_55, 16 : i32
      %parallel_loop3A_57 = arith.index_cast %parallel_loop3A_56 : i32 to index
      %parallel_loop3A_58 = tpu.vector_load %arg12[%parallel_loop3A_57] {strides = array<i32>} : memref<10240xf32, #tpu.memory_space<vmem>>, vector<16xf32>,
      tpu.vector_store %arg12[%parallel_loop3A_57], %broadcast_in_dim3A_4 {strides = array<i32>} : memref<10240xf32, #tpu.memory_space<vmem>>, vector<16xf32>,
    } {sc.loop_unroll_factor = 4 : i64, sc.parallel_access}
    %barrier3A = arith.constant 0 : index
    tpu.barrier barrier_id(%barrier3A)
    "tpu.region"() ({
      %run_scoped3A = tpu.sem_alloc : memref<!tpu.dma_semaphore, #tpu.memory_space<semaphore_mem>>
      %dma_start3A_53 = arith.constant 0 : i32
      %dma_start3A_54 = tpu.memref_slice %arg21[%dma_start3A_53, %multiple_of3A_3] : memref<16x10240xf32, #tpu.memory_space<vmem_shared>> -> memref<16x640xf32, #tpu.memory_space<vmem_shared>>
      %dma_start3A_55 = arith.constant 0 : i32
      %dma_start3A_56 = tpu.memref_slice %arg21[%dma_start3A_55, %multiple_of3A_3] : memref<16x10240xf32, #tpu.memory_space<vmem_shared>> -> memref<16x640xf32, #tpu.memory_space<vmem_shared>>
      tpu.enqueue_dma source(%dma_start3A_56 : memref<16x640xf32, #tpu.memory_space<vmem_shared>>) target(%arg14 : memref<16x640xf32, #tpu.memory_space<vmem>>) target_semaphore(%run_scoped3A : memref<!tpu.dma_semaphore, #tpu.memory_space<semaphore_mem>>)
      %dma_wait3A_57 = arith.constant 0 : i32
      %dma_wait3A_58 = tpu.memref_slice %arg21[%dma_wait3A_57, %multiple_of3A_3] : memref<16x10240xf32, #tpu.memory_space<vmem_shared>> -> memref<16x640xf32, #tpu.memory_space<vmem_shared>>
      %dma_wait3A_59 = arith.constant 0 : i32
      %dma_wait3A_60 = tpu.memref_slice %arg21[%dma_wait3A_59, %multiple_of3A_3] : memref<16x10240xf32, #tpu.memory_space<vmem_shared>> -> memref<16x640xf32, #tpu.memory_space<vmem_shared>>
      tpu.wait_dma2 semaphore(%run_scoped3A : memref<!tpu.dma_semaphore, #tpu.memory_space<semaphore_mem>>) src(%dma_wait3A_60 : memref<16x640xf32, #tpu.memory_space<vmem_shared>>) dst(%arg14 : memref<16x640xf32, #tpu.memory_space<vmem>>)
      tpu.yield
    }) : () -> ()
    %parallel_loop3A_39 = arith.constant 0 : i32
    %parallel_loop3A_40 = arith.constant 40 : i32
    %parallel_loop3A_41 = arith.constant 1 : i32
    scf.for %parallel_loop3A_53 = %parallel_loop3A_39 to %parallel_loop3A_40 step %parallel_loop3A_41  : i32 {
      %parallel_loop3A_54 = arith.constant 16 : i32
      %parallel_loop3A_55 = arith.muli %parallel_loop3A_53, %parallel_loop3A_54 : i32
      %parallel_loop3A_56 = tpu.assume_multiple %parallel_loop3A_55, 16 : i32
      %parallel_loop3A_57 = arith.constant 0 : i32
      %parallel_loop3A_58 = arith.index_cast %parallel_loop3A_57 : i32 to index
      %parallel_loop3A_59 = arith.index_cast %parallel_loop3A_56 : i32 to index
      %parallel_loop3A_60 = tpu.vector_load %arg14[%parallel_loop3A_58, %parallel_loop3A_59] {strides = array<i32>} : memref<16x640xf32, #tpu.memory_space<vmem>>, vector<16xf32>,
      %parallel_loop3A_61 = arith.constant 1 : i32
      %parallel_loop3A_62 = arith.index_cast %parallel_loop3A_61 : i32 to index
      %parallel_loop3A_63 = arith.index_cast %parallel_loop3A_56 : i32 to index
      %parallel_loop3A_64 = tpu.vector_load %arg14[%parallel_loop3A_62, %parallel_loop3A_63] {strides = array<i32>} : memref<16x640xf32, #tpu.memory_space<vmem>>, vector<16xf32>,
      %parallel_loop3A_65 = arith.addf %parallel_loop3A_60, %parallel_loop3A_64 : vector<16xf32>
      %parallel_loop3A_66 = arith.constant 2 : i32
      %parallel_loop3A_67 = arith.index_cast %parallel_loop3A_66 : i32 to index
      %parallel_loop3A_68 = arith.index_cast %parallel_loop3A_56 : i32 to index
      %parallel_loop3A_69 = tpu.vector_load %arg14[%parallel_loop3A_67, %parallel_loop3A_68] {strides = array<i32>} : memref<16x640xf32, #tpu.memory_space<vmem>>, vector<16xf32>,
      %parallel_loop3A_70 = arith.addf %parallel_loop3A_65, %parallel_loop3A_69 : vector<16xf32>
      %parallel_loop3A_71 = arith.constant 3 : i32
      %parallel_loop3A_72 = arith.index_cast %parallel_loop3A_71 : i32 to index
      %parallel_loop3A_73 = arith.index_cast %parallel_loop3A_56 : i32 to index
      %parallel_loop3A_74 = tpu.vector_load %arg14[%parallel_loop3A_72, %parallel_loop3A_73] {strides = array<i32>} : memref<16x640xf32, #tpu.memory_space<vmem>>, vector<16xf32>,
      %parallel_loop3A_75 = arith.addf %parallel_loop3A_70, %parallel_loop3A_74 : vector<16xf32>
      %parallel_loop3A_76 = arith.constant 4 : i32
      %parallel_loop3A_77 = arith.index_cast %parallel_loop3A_76 : i32 to index
      %parallel_loop3A_78 = arith.index_cast %parallel_loop3A_56 : i32 to index
      %parallel_loop3A_79 = tpu.vector_load %arg14[%parallel_loop3A_77, %parallel_loop3A_78] {strides = array<i32>} : memref<16x640xf32, #tpu.memory_space<vmem>>, vector<16xf32>,
      %parallel_loop3A_80 = arith.addf %parallel_loop3A_75, %parallel_loop3A_79 : vector<16xf32>
      %parallel_loop3A_81 = arith.constant 5 : i32
      %parallel_loop3A_82 = arith.index_cast %parallel_loop3A_81 : i32 to index
      %parallel_loop3A_83 = arith.index_cast %parallel_loop3A_56 : i32 to index
      %parallel_loop3A_84 = tpu.vector_load %arg14[%parallel_loop3A_82, %parallel_loop3A_83] {strides = array<i32>} : memref<16x640xf32, #tpu.memory_space<vmem>>, vector<16xf32>,
      %parallel_loop3A_85 = arith.addf %parallel_loop3A_80, %parallel_loop3A_84 : vector<16xf32>
      %parallel_loop3A_86 = arith.constant 6 : i32
      %parallel_loop3A_87 = arith.index_cast %parallel_loop3A_86 : i32 to index
      %parallel_loop3A_88 = arith.index_cast %parallel_loop3A_56 : i32 to index
      %parallel_loop3A_89 = tpu.vector_load %arg14[%parallel_loop3A_87, %parallel_loop3A_88] {strides = array<i32>} : memref<16x640xf32, #tpu.memory_space<vmem>>, vector<16xf32>,
      %parallel_loop3A_90 = arith.addf %parallel_loop3A_85, %parallel_loop3A_89 : vector<16xf32>
      %parallel_loop3A_91 = arith.constant 7 : i32
      %parallel_loop3A_92 = arith.index_cast %parallel_loop3A_91 : i32 to index
      %parallel_loop3A_93 = arith.index_cast %parallel_loop3A_56 : i32 to index
      %parallel_loop3A_94 = tpu.vector_load %arg14[%parallel_loop3A_92, %parallel_loop3A_93] {strides = array<i32>} : memref<16x640xf32, #tpu.memory_space<vmem>>, vector<16xf32>,
      %parallel_loop3A_95 = arith.addf %parallel_loop3A_90, %parallel_loop3A_94 : vector<16xf32>
      %parallel_loop3A_96 = arith.constant 8 : i32
      %parallel_loop3A_97 = arith.index_cast %parallel_loop3A_96 : i32 to index
      %parallel_loop3A_98 = arith.index_cast %parallel_loop3A_56 : i32 to index
      %parallel_loop3A_99 = tpu.vector_load %arg14[%parallel_loop3A_97, %parallel_loop3A_98] {strides = array<i32>} : memref<16x640xf32, #tpu.memory_space<vmem>>, vector<16xf32>,
      %parallel_loop3A_100 = arith.addf %parallel_loop3A_95, %parallel_loop3A_99 : vector<16xf32>
      %parallel_loop3A_101 = arith.constant 9 : i32
      %parallel_loop3A_102 = arith.index_cast %parallel_loop3A_101 : i32 to index
      %parallel_loop3A_103 = arith.index_cast %parallel_loop3A_56 : i32 to index
      %parallel_loop3A_104 = tpu.vector_load %arg14[%parallel_loop3A_102, %parallel_loop3A_103] {strides = array<i32>} : memref<16x640xf32, #tpu.memory_space<vmem>>, vector<16xf32>,
      %parallel_loop3A_105 = arith.addf %parallel_loop3A_100, %parallel_loop3A_104 : vector<16xf32>
      %parallel_loop3A_106 = arith.constant 10 : i32
      %parallel_loop3A_107 = arith.index_cast %parallel_loop3A_106 : i32 to index
      %parallel_loop3A_108 = arith.index_cast %parallel_loop3A_56 : i32 to index
      %parallel_loop3A_109 = tpu.vector_load %arg14[%parallel_loop3A_107, %parallel_loop3A_108] {strides = array<i32>} : memref<16x640xf32, #tpu.memory_space<vmem>>, vector<16xf32>,
      %parallel_loop3A_110 = arith.addf %parallel_loop3A_105, %parallel_loop3A_109 : vector<16xf32>
      %parallel_loop3A_111 = arith.constant 11 : i32
      %parallel_loop3A_112 = arith.index_cast %parallel_loop3A_111 : i32 to index
      %parallel_loop3A_113 = arith.index_cast %parallel_loop3A_56 : i32 to index
      %parallel_loop3A_114 = tpu.vector_load %arg14[%parallel_loop3A_112, %parallel_loop3A_113] {strides = array<i32>} : memref<16x640xf32, #tpu.memory_space<vmem>>, vector<16xf32>,
      %parallel_loop3A_115 = arith.addf %parallel_loop3A_110, %parallel_loop3A_114 : vector<16xf32>
      %parallel_loop3A_116 = arith.constant 12 : i32
      %parallel_loop3A_117 = arith.index_cast %parallel_loop3A_116 : i32 to index
      %parallel_loop3A_118 = arith.index_cast %parallel_loop3A_56 : i32 to index
      %parallel_loop3A_119 = tpu.vector_load %arg14[%parallel_loop3A_117, %parallel_loop3A_118] {strides = array<i32>} : memref<16x640xf32, #tpu.memory_space<vmem>>, vector<16xf32>,
      %parallel_loop3A_120 = arith.addf %parallel_loop3A_115, %parallel_loop3A_119 : vector<16xf32>
      %parallel_loop3A_121 = arith.constant 13 : i32
      %parallel_loop3A_122 = arith.index_cast %parallel_loop3A_121 : i32 to index
      %parallel_loop3A_123 = arith.index_cast %parallel_loop3A_56 : i32 to index
      %parallel_loop3A_124 = tpu.vector_load %arg14[%parallel_loop3A_122, %parallel_loop3A_123] {strides = array<i32>} : memref<16x640xf32, #tpu.memory_space<vmem>>, vector<16xf32>,
      %parallel_loop3A_125 = arith.addf %parallel_loop3A_120, %parallel_loop3A_124 : vector<16xf32>
      %parallel_loop3A_126 = arith.constant 14 : i32
      %parallel_loop3A_127 = arith.index_cast %parallel_loop3A_126 : i32 to index
      %parallel_loop3A_128 = arith.index_cast %parallel_loop3A_56 : i32 to index
      %parallel_loop3A_129 = tpu.vector_load %arg14[%parallel_loop3A_127, %parallel_loop3A_128] {strides = array<i32>} : memref<16x640xf32, #tpu.memory_space<vmem>>, vector<16xf32>,
      %parallel_loop3A_130 = arith.addf %parallel_loop3A_125, %parallel_loop3A_129 : vector<16xf32>
      %parallel_loop3A_131 = arith.constant 15 : i32
      %parallel_loop3A_132 = arith.index_cast %parallel_loop3A_131 : i32 to index
      %parallel_loop3A_133 = arith.index_cast %parallel_loop3A_56 : i32 to index
      %parallel_loop3A_134 = tpu.vector_load %arg14[%parallel_loop3A_132, %parallel_loop3A_133] {strides = array<i32>} : memref<16x640xf32, #tpu.memory_space<vmem>>, vector<16xf32>,
      %parallel_loop3A_135 = arith.addf %parallel_loop3A_130, %parallel_loop3A_134 : vector<16xf32>
      %parallel_loop3A_136 = arith.index_cast %parallel_loop3A_56 : i32 to index
      %parallel_loop3A_137 = tpu.vector_load %arg16[%parallel_loop3A_136] {strides = array<i32>} : memref<640xf32, #tpu.memory_space<vmem>>, vector<16xf32>,
      tpu.vector_store %arg16[%parallel_loop3A_136], %parallel_loop3A_135 {strides = array<i32>} : memref<640xf32, #tpu.memory_space<vmem>>, vector<16xf32>,
    } {sc.loop_unroll_factor = 2 : i64, sc.parallel_access}
    "tpu.region"() ({
      %run_scoped3A = tpu.sem_alloc : memref<!tpu.dma_semaphore, #tpu.memory_space<semaphore_mem>>
      %dma_start3A_53 = arith.constant 0 : i32
      %dma_start3A_54 = tpu.memref_slice %arg22[%dma_start3A_53, %multiple_of3A_3] : memref<16x10240xf32, #tpu.memory_space<vmem_shared>> -> memref<16x640xf32, #tpu.memory_space<vmem_shared>>
      %dma_start3A_55 = arith.constant 0 : i32
      %dma_start3A_56 = tpu.memref_slice %arg22[%dma_start3A_55, %multiple_of3A_3] : memref<16x10240xf32, #tpu.memory_space<vmem_shared>> -> memref<16x640xf32, #tpu.memory_space<vmem_shared>>
      tpu.enqueue_dma source(%dma_start3A_56 : memref<16x640xf32, #tpu.memory_space<vmem_shared>>) target(%arg14 : memref<16x640xf32, #tpu.memory_space<vmem>>) target_semaphore(%run_scoped3A : memref<!tpu.dma_semaphore, #tpu.memory_space<semaphore_mem>>)
      %dma_wait3A_57 = arith.constant 0 : i32
      %dma_wait3A_58 = tpu.memref_slice %arg22[%dma_wait3A_57, %multiple_of3A_3] : memref<16x10240xf32, #tpu.memory_space<vmem_shared>> -> memref<16x640xf32, #tpu.memory_space<vmem_shared>>
      %dma_wait3A_59 = arith.constant 0 : i32
      %dma_wait3A_60 = tpu.memref_slice %arg22[%dma_wait3A_59, %multiple_of3A_3] : memref<16x10240xf32, #tpu.memory_space<vmem_shared>> -> memref<16x640xf32, #tpu.memory_space<vmem_shared>>
      tpu.wait_dma2 semaphore(%run_scoped3A : memref<!tpu.dma_semaphore, #tpu.memory_space<semaphore_mem>>) src(%dma_wait3A_60 : memref<16x640xf32, #tpu.memory_space<vmem_shared>>) dst(%arg14 : memref<16x640xf32, #tpu.memory_space<vmem>>)
      tpu.yield
    }) : () -> ()
    %parallel_loop3A_42 = arith.constant 0 : i32
    %parallel_loop3A_43 = arith.constant 40 : i32
    %parallel_loop3A_44 = arith.constant 1 : i32
    scf.for %parallel_loop3A_53 = %parallel_loop3A_42 to %parallel_loop3A_43 step %parallel_loop3A_44  : i32 {
      %parallel_loop3A_54 = arith.constant 16 : i32
      %parallel_loop3A_55 = arith.muli %parallel_loop3A_53, %parallel_loop3A_54 : i32
      %parallel_loop3A_56 = tpu.assume_multiple %parallel_loop3A_55, 16 : i32
      %parallel_loop3A_57 = arith.constant 0 : i32
      %parallel_loop3A_58 = arith.index_cast %parallel_loop3A_57 : i32 to index
      %parallel_loop3A_59 = arith.index_cast %parallel_loop3A_56 : i32 to index
      %parallel_loop3A_60 = tpu.vector_load %arg14[%parallel_loop3A_58, %parallel_loop3A_59] {strides = array<i32>} : memref<16x640xf32, #tpu.memory_space<vmem>>, vector<16xf32>,
      %parallel_loop3A_61 = arith.constant 1 : i32
      %parallel_loop3A_62 = arith.index_cast %parallel_loop3A_61 : i32 to index
      %parallel_loop3A_63 = arith.index_cast %parallel_loop3A_56 : i32 to index
      %parallel_loop3A_64 = tpu.vector_load %arg14[%parallel_loop3A_62, %parallel_loop3A_63] {strides = array<i32>} : memref<16x640xf32, #tpu.memory_space<vmem>>, vector<16xf32>,
      %parallel_loop3A_65 = arith.addf %parallel_loop3A_60, %parallel_loop3A_64 : vector<16xf32>
      %parallel_loop3A_66 = arith.constant 2 : i32
      %parallel_loop3A_67 = arith.index_cast %parallel_loop3A_66 : i32 to index
      %parallel_loop3A_68 = arith.index_cast %parallel_loop3A_56 : i32 to index
      %parallel_loop3A_69 = tpu.vector_load %arg14[%parallel_loop3A_67, %parallel_loop3A_68] {strides = array<i32>} : memref<16x640xf32, #tpu.memory_space<vmem>>, vector<16xf32>,
      %parallel_loop3A_70 = arith.addf %parallel_loop3A_65, %parallel_loop3A_69 : vector<16xf32>
      %parallel_loop3A_71 = arith.constant 3 : i32
      %parallel_loop3A_72 = arith.index_cast %parallel_loop3A_71 : i32 to index
      %parallel_loop3A_73 = arith.index_cast %parallel_loop3A_56 : i32 to index
      %parallel_loop3A_74 = tpu.vector_load %arg14[%parallel_loop3A_72, %parallel_loop3A_73] {strides = array<i32>} : memref<16x640xf32, #tpu.memory_space<vmem>>, vector<16xf32>,
      %parallel_loop3A_75 = arith.addf %parallel_loop3A_70, %parallel_loop3A_74 : vector<16xf32>
      %parallel_loop3A_76 = arith.constant 4 : i32
      %parallel_loop3A_77 = arith.index_cast %parallel_loop3A_76 : i32 to index
      %parallel_loop3A_78 = arith.index_cast %parallel_loop3A_56 : i32 to index
      %parallel_loop3A_79 = tpu.vector_load %arg14[%parallel_loop3A_77, %parallel_loop3A_78] {strides = array<i32>} : memref<16x640xf32, #tpu.memory_space<vmem>>, vector<16xf32>,
      %parallel_loop3A_80 = arith.addf %parallel_loop3A_75, %parallel_loop3A_79 : vector<16xf32>
      %parallel_loop3A_81 = arith.constant 5 : i32
      %parallel_loop3A_82 = arith.index_cast %parallel_loop3A_81 : i32 to index
      %parallel_loop3A_83 = arith.index_cast %parallel_loop3A_56 : i32 to index
      %parallel_loop3A_84 = tpu.vector_load %arg14[%parallel_loop3A_82, %parallel_loop3A_83] {strides = array<i32>} : memref<16x640xf32, #tpu.memory_space<vmem>>, vector<16xf32>,
      %parallel_loop3A_85 = arith.addf %parallel_loop3A_80, %parallel_loop3A_84 : vector<16xf32>
      %parallel_loop3A_86 = arith.constant 6 : i32
      %parallel_loop3A_87 = arith.index_cast %parallel_loop3A_86 : i32 to index
      %parallel_loop3A_88 = arith.index_cast %parallel_loop3A_56 : i32 to index
      %parallel_loop3A_89 = tpu.vector_load %arg14[%parallel_loop3A_87, %parallel_loop3A_88] {strides = array<i32>} : memref<16x640xf32, #tpu.memory_space<vmem>>, vector<16xf32>,
      %parallel_loop3A_90 = arith.addf %parallel_loop3A_85, %parallel_loop3A_89 : vector<16xf32>
      %parallel_loop3A_91 = arith.constant 7 : i32
      %parallel_loop3A_92 = arith.index_cast %parallel_loop3A_91 : i32 to index
      %parallel_loop3A_93 = arith.index_cast %parallel_loop3A_56 : i32 to index
      %parallel_loop3A_94 = tpu.vector_load %arg14[%parallel_loop3A_92, %parallel_loop3A_93] {strides = array<i32>} : memref<16x640xf32, #tpu.memory_space<vmem>>, vector<16xf32>,
      %parallel_loop3A_95 = arith.addf %parallel_loop3A_90, %parallel_loop3A_94 : vector<16xf32>
      %parallel_loop3A_96 = arith.constant 8 : i32
      %parallel_loop3A_97 = arith.index_cast %parallel_loop3A_96 : i32 to index
      %parallel_loop3A_98 = arith.index_cast %parallel_loop3A_56 : i32 to index
      %parallel_loop3A_99 = tpu.vector_load %arg14[%parallel_loop3A_97, %parallel_loop3A_98] {strides = array<i32>} : memref<16x640xf32, #tpu.memory_space<vmem>>, vector<16xf32>,
      %parallel_loop3A_100 = arith.addf %parallel_loop3A_95, %parallel_loop3A_99 : vector<16xf32>
      %parallel_loop3A_101 = arith.constant 9 : i32
      %parallel_loop3A_102 = arith.index_cast %parallel_loop3A_101 : i32 to index
      %parallel_loop3A_103 = arith.index_cast %parallel_loop3A_56 : i32 to index
      %parallel_loop3A_104 = tpu.vector_load %arg14[%parallel_loop3A_102, %parallel_loop3A_103] {strides = array<i32>} : memref<16x640xf32, #tpu.memory_space<vmem>>, vector<16xf32>,
      %parallel_loop3A_105 = arith.addf %parallel_loop3A_100, %parallel_loop3A_104 : vector<16xf32>
      %parallel_loop3A_106 = arith.constant 10 : i32
      %parallel_loop3A_107 = arith.index_cast %parallel_loop3A_106 : i32 to index
      %parallel_loop3A_108 = arith.index_cast %parallel_loop3A_56 : i32 to index
      %parallel_loop3A_109 = tpu.vector_load %arg14[%parallel_loop3A_107, %parallel_loop3A_108] {strides = array<i32>} : memref<16x640xf32, #tpu.memory_space<vmem>>, vector<16xf32>,
      %parallel_loop3A_110 = arith.addf %parallel_loop3A_105, %parallel_loop3A_109 : vector<16xf32>
      %parallel_loop3A_111 = arith.constant 11 : i32
      %parallel_loop3A_112 = arith.index_cast %parallel_loop3A_111 : i32 to index
      %parallel_loop3A_113 = arith.index_cast %parallel_loop3A_56 : i32 to index
      %parallel_loop3A_114 = tpu.vector_load %arg14[%parallel_loop3A_112, %parallel_loop3A_113] {strides = array<i32>} : memref<16x640xf32, #tpu.memory_space<vmem>>, vector<16xf32>,
      %parallel_loop3A_115 = arith.addf %parallel_loop3A_110, %parallel_loop3A_114 : vector<16xf32>
      %parallel_loop3A_116 = arith.constant 12 : i32
      %parallel_loop3A_117 = arith.index_cast %parallel_loop3A_116 : i32 to index
      %parallel_loop3A_118 = arith.index_cast %parallel_loop3A_56 : i32 to index
      %parallel_loop3A_119 = tpu.vector_load %arg14[%parallel_loop3A_117, %parallel_loop3A_118] {strides = array<i32>} : memref<16x640xf32, #tpu.memory_space<vmem>>, vector<16xf32>,
      %parallel_loop3A_120 = arith.addf %parallel_loop3A_115, %parallel_loop3A_119 : vector<16xf32>
      %parallel_loop3A_121 = arith.constant 13 : i32
      %parallel_loop3A_122 = arith.index_cast %parallel_loop3A_121 : i32 to index
      %parallel_loop3A_123 = arith.index_cast %parallel_loop3A_56 : i32 to index
      %parallel_loop3A_124 = tpu.vector_load %arg14[%parallel_loop3A_122, %parallel_loop3A_123] {strides = array<i32>} : memref<16x640xf32, #tpu.memory_space<vmem>>, vector<16xf32>,
      %parallel_loop3A_125 = arith.addf %parallel_loop3A_120, %parallel_loop3A_124 : vector<16xf32>
      %parallel_loop3A_126 = arith.constant 14 : i32
      %parallel_loop3A_127 = arith.index_cast %parallel_loop3A_126 : i32 to index
      %parallel_loop3A_128 = arith.index_cast %parallel_loop3A_56 : i32 to index
      %parallel_loop3A_129 = tpu.vector_load %arg14[%parallel_loop3A_127, %parallel_loop3A_128] {strides = array<i32>} : memref<16x640xf32, #tpu.memory_space<vmem>>, vector<16xf32>,
      %parallel_loop3A_130 = arith.addf %parallel_loop3A_125, %parallel_loop3A_129 : vector<16xf32>
      %parallel_loop3A_131 = arith.constant 15 : i32
      %parallel_loop3A_132 = arith.index_cast %parallel_loop3A_131 : i32 to index
      %parallel_loop3A_133 = arith.index_cast %parallel_loop3A_56 : i32 to index
      %parallel_loop3A_134 = tpu.vector_load %arg14[%parallel_loop3A_132, %parallel_loop3A_133] {strides = array<i32>} : memref<16x640xf32, #tpu.memory_space<vmem>>, vector<16xf32>,
      %parallel_loop3A_135 = arith.addf %parallel_loop3A_130, %parallel_loop3A_134 : vector<16xf32>
      %parallel_loop3A_136 = arith.constant 1.000000e+00 : f32
      %parallel_loop3A_137 = vector.broadcast %parallel_loop3A_136 : f32 to vector<16xf32>
      %parallel_loop3A_138 = arith.maximumf %parallel_loop3A_135, %parallel_loop3A_137 : vector<16xf32>
      %parallel_loop3A_139 = arith.index_cast %parallel_loop3A_56 : i32 to index
      %parallel_loop3A_140 = tpu.vector_load %arg15[%parallel_loop3A_139] {strides = array<i32>} : memref<640xf32, #tpu.memory_space<vmem>>, vector<16xf32>,
      tpu.vector_store %arg15[%parallel_loop3A_139], %parallel_loop3A_138 {strides = array<i32>} : memref<640xf32, #tpu.memory_space<vmem>>, vector<16xf32>,
      %parallel_loop3A_141 = arith.index_cast %parallel_loop3A_56 : i32 to index
      %parallel_loop3A_142 = tpu.vector_load %arg16[%parallel_loop3A_141] {strides = array<i32>} : memref<640xf32, #tpu.memory_space<vmem>>, vector<16xf32>,
      %parallel_loop3A_143 = arith.divf %parallel_loop3A_142, %parallel_loop3A_138 : vector<16xf32>
      %parallel_loop3A_144 = arith.index_cast %parallel_loop3A_56 : i32 to index
      %parallel_loop3A_145 = tpu.vector_load %arg16[%parallel_loop3A_144] {strides = array<i32>} : memref<640xf32, #tpu.memory_space<vmem>>, vector<16xf32>,
      tpu.vector_store %arg16[%parallel_loop3A_144], %parallel_loop3A_143 {strides = array<i32>} : memref<640xf32, #tpu.memory_space<vmem>>, vector<16xf32>,
    } {sc.loop_unroll_factor = 2 : i64, sc.parallel_access}
    "tpu.region"() ({
      %run_scoped3A = tpu.sem_alloc : memref<!tpu.dma_semaphore, #tpu.memory_space<semaphore_mem>>
      %dma_start3A_53 = tpu.memref_slice %arg23[%multiple_of3A_3] : memref<10240xf32, #tpu.memory_space<vmem_shared>> -> memref<640xf32, #tpu.memory_space<vmem_shared>>
      %dma_start3A_54 = tpu.memref_slice %arg23[%multiple_of3A_3] : memref<10240xf32, #tpu.memory_space<vmem_shared>> -> memref<640xf32, #tpu.memory_space<vmem_shared>>
      tpu.enqueue_dma source(%arg16 : memref<640xf32, #tpu.memory_space<vmem>>) target(%dma_start3A_54 : memref<640xf32, #tpu.memory_space<vmem_shared>>) target_semaphore(%run_scoped3A : memref<!tpu.dma_semaphore, #tpu.memory_space<semaphore_mem>>)
      %dma_wait3A_55 = tpu.memref_slice %arg23[%multiple_of3A_3] : memref<10240xf32, #tpu.memory_space<vmem_shared>> -> memref<640xf32, #tpu.memory_space<vmem_shared>>
      %dma_wait3A_56 = tpu.memref_slice %arg23[%multiple_of3A_3] : memref<10240xf32, #tpu.memory_space<vmem_shared>> -> memref<640xf32, #tpu.memory_space<vmem_shared>>
      tpu.wait_dma2 semaphore(%run_scoped3A : memref<!tpu.dma_semaphore, #tpu.memory_space<semaphore_mem>>) src(%arg16 : memref<640xf32, #tpu.memory_space<vmem>>) dst(%dma_wait3A_56 : memref<640xf32, #tpu.memory_space<vmem_shared>>)
      tpu.yield
    }) : () -> ()
    %barrier3A_45 = arith.constant 0 : index
    tpu.barrier barrier_id(%barrier3A_45)
    "tpu.region"() ({
      %run_scoped3A = tpu.sem_alloc : memref<!tpu.dma_semaphore, #tpu.memory_space<semaphore_mem>>
      tpu.enqueue_dma source(%arg23 : memref<10240xf32, #tpu.memory_space<vmem_shared>>) target(%arg8 : memref<10240xf32, #tpu.memory_space<vmem>>) target_semaphore(%run_scoped3A : memref<!tpu.dma_semaphore, #tpu.memory_space<semaphore_mem>>)
      tpu.wait_dma2 semaphore(%run_scoped3A : memref<!tpu.dma_semaphore, #tpu.memory_space<semaphore_mem>>) src(%arg23 : memref<10240xf32, #tpu.memory_space<vmem_shared>>) dst(%arg8 : memref<10240xf32, #tpu.memory_space<vmem>>)
      tpu.yield
    }) : () -> ()
    %parallel_loop3A_46 = arith.constant 0 : i32
    %parallel_loop3A_47 = arith.constant 1250 : i32
    %parallel_loop3A_48 = arith.constant 1 : i32
    scf.for %parallel_loop3A_53 = %parallel_loop3A_46 to %parallel_loop3A_47 step %parallel_loop3A_48  : i32 {
      %parallel_loop3A_54 = arith.constant 16 : i32
      %parallel_loop3A_55 = arith.muli %parallel_loop3A_53, %parallel_loop3A_54 : i32
      %parallel_loop3A_56 = tpu.assume_multiple %parallel_loop3A_55, 16 : i32
      %parallel_loop3A_57 = arith.index_cast %parallel_loop3A_56 : i32 to index
      %parallel_loop3A_58 = tpu.vector_load %arg9[%parallel_loop3A_57] {strides = array<i32>} : memref<20000xi32, #tpu.memory_space<vmem>>, vector<16xi32>,
      %parallel_loop3A_59 = arith.index_cast %parallel_loop3A_56 : i32 to index
      %parallel_loop3A_60 = tpu.vector_load %arg10[%parallel_loop3A_59] {strides = array<i32>} : memref<20000xi32, #tpu.memory_space<vmem>>, vector<16xi32>,
      %parallel_loop3A_61 = arith.index_cast %parallel_loop3A_56 : i32 to index
      %parallel_loop3A_62 = tpu.vector_load %arg11[%parallel_loop3A_61] {strides = array<i32>} : memref<20000xf32, #tpu.memory_space<vmem>>, vector<16xf32>,
      %parallel_loop3A_63 = tpu.vector_load_idx %arg8[%parallel_loop3A_58] : memref<10240xf32, #tpu.memory_space<vmem>>[vector<16xi32>], vector<16xf32>,
      %parallel_loop3A_64 = tpu.vector_load_idx %arg8[%parallel_loop3A_60] : memref<10240xf32, #tpu.memory_space<vmem>>[vector<16xi32>], vector<16xf32>,
      %parallel_loop3A_65 = arith.subf %parallel_loop3A_64, %parallel_loop3A_63 : vector<16xf32>
      %parallel_loop3A_66 = arith.mulf %parallel_loop3A_65, %parallel_loop3A_62 : vector<16xf32>
      tpu.vector_store_idx %arg12[%parallel_loop3A_60], %parallel_loop3A_66 {add = true} : memref<10240xf32, #tpu.memory_space<vmem>>[vector<16xi32>], vector<16xf32>,
    } {sc.loop_unroll_factor = 4 : i64, sc.parallel_access}
    "tpu.region"() ({
      %run_scoped3A = tpu.sem_alloc : memref<!tpu.dma_semaphore, #tpu.memory_space<semaphore_mem>>
      %dma_start3A_53 = arith.constant 0 : i32
      %dma_start3A_54 = tpu.memref_slice %arg21[%arg1, %dma_start3A_53] : memref<16x10240xf32, #tpu.memory_space<vmem_shared>> -> memref<1x10240xf32, #tpu.memory_space<vmem_shared>>
      %dma_start3A_55 = tpu.memref_squeeze %dma_start3A_54 : memref<1x10240xf32, #tpu.memory_space<vmem_shared>> -> memref<10240xf32, #tpu.memory_space<vmem_shared>>
      %dma_start3A_56 = arith.constant 0 : i32
      %dma_start3A_57 = tpu.memref_slice %arg21[%arg1, %dma_start3A_56] : memref<16x10240xf32, #tpu.memory_space<vmem_shared>> -> memref<1x10240xf32, #tpu.memory_space<vmem_shared>>
      %dma_start3A_58 = tpu.memref_squeeze %dma_start3A_57 : memref<1x10240xf32, #tpu.memory_space<vmem_shared>> -> memref<10240xf32, #tpu.memory_space<vmem_shared>>
      tpu.enqueue_dma source(%arg12 : memref<10240xf32, #tpu.memory_space<vmem>>) target(%dma_start3A_58 : memref<10240xf32, #tpu.memory_space<vmem_shared>>) target_semaphore(%run_scoped3A : memref<!tpu.dma_semaphore, #tpu.memory_space<semaphore_mem>>)
      %dma_wait3A_59 = arith.constant 0 : i32
      %dma_wait3A_60 = tpu.memref_slice %arg21[%arg1, %dma_wait3A_59] : memref<16x10240xf32, #tpu.memory_space<vmem_shared>> -> memref<1x10240xf32, #tpu.memory_space<vmem_shared>>
      %dma_wait3A_61 = tpu.memref_squeeze %dma_wait3A_60 : memref<1x10240xf32, #tpu.memory_space<vmem_shared>> -> memref<10240xf32, #tpu.memory_space<vmem_shared>>
      %dma_wait3A_62 = arith.constant 0 : i32
      %dma_wait3A_63 = tpu.memref_slice %arg21[%arg1, %dma_wait3A_62] : memref<16x10240xf32, #tpu.memory_space<vmem_shared>> -> memref<1x10240xf32, #tpu.memory_space<vmem_shared>>
      %dma_wait3A_64 = tpu.memref_squeeze %dma_wait3A_63 : memref<1x10240xf32, #tpu.memory_space<vmem_shared>> -> memref<10240xf32, #tpu.memory_space<vmem_shared>>
      tpu.wait_dma2 semaphore(%run_scoped3A : memref<!tpu.dma_semaphore, #tpu.memory_space<semaphore_mem>>) src(%arg12 : memref<10240xf32, #tpu.memory_space<vmem>>) dst(%dma_wait3A_64 : memref<10240xf32, #tpu.memory_space<vmem_shared>>)
      tpu.yield
    }) : () -> ()
    %barrier3A_49 = arith.constant 0 : index
    tpu.barrier barrier_id(%barrier3A_49)
    "tpu.region"() ({
      %run_scoped3A = tpu.sem_alloc : memref<!tpu.dma_semaphore, #tpu.memory_space<semaphore_mem>>
      %dma_start3A_53 = arith.constant 0 : i32
      %dma_start3A_54 = tpu.memref_slice %arg21[%dma_start3A_53, %multiple_of3A_3] : memref<16x10240xf32, #tpu.memory_space<vmem_shared>> -> memref<16x640xf32, #tpu.memory_space<vmem_shared>>
      %dma_start3A_55 = arith.constant 0 : i32
      %dma_start3A_56 = tpu.memref_slice %arg21[%dma_start3A_55, %multiple_of3A_3] : memref<16x10240xf32, #tpu.memory_space<vmem_shared>> -> memref<16x640xf32, #tpu.memory_space<vmem_shared>>
      tpu.enqueue_dma source(%dma_start3A_56 : memref<16x640xf32, #tpu.memory_space<vmem_shared>>) target(%arg14 : memref<16x640xf32, #tpu.memory_space<vmem>>) target_semaphore(%run_scoped3A : memref<!tpu.dma_semaphore, #tpu.memory_space<semaphore_mem>>)
      %dma_wait3A_57 = arith.constant 0 : i32
      %dma_wait3A_58 = tpu.memref_slice %arg21[%dma_wait3A_57, %multiple_of3A_3] : memref<16x10240xf32, #tpu.memory_space<vmem_shared>> -> memref<16x640xf32, #tpu.memory_space<vmem_shared>>
      %dma_wait3A_59 = arith.constant 0 : i32
      %dma_wait3A_60 = tpu.memref_slice %arg21[%dma_wait3A_59, %multiple_of3A_3] : memref<16x10240xf32, #tpu.memory_space<vmem_shared>> -> memref<16x640xf32, #tpu.memory_space<vmem_shared>>
      tpu.wait_dma2 semaphore(%run_scoped3A : memref<!tpu.dma_semaphore, #tpu.memory_space<semaphore_mem>>) src(%dma_wait3A_60 : memref<16x640xf32, #tpu.memory_space<vmem_shared>>) dst(%arg14 : memref<16x640xf32, #tpu.memory_space<vmem>>)
      tpu.yield
    }) : () -> ()
    %parallel_loop3A_50 = arith.constant 0 : i32
    %parallel_loop3A_51 = arith.constant 40 : i32
    %parallel_loop3A_52 = arith.constant 1 : i32
    scf.for %parallel_loop3A_53 = %parallel_loop3A_50 to %parallel_loop3A_51 step %parallel_loop3A_52  : i32 {
      %parallel_loop3A_54 = arith.constant 16 : i32
      %parallel_loop3A_55 = arith.muli %parallel_loop3A_53, %parallel_loop3A_54 : i32
      %parallel_loop3A_56 = tpu.assume_multiple %parallel_loop3A_55, 16 : i32
      %parallel_loop3A_57 = arith.constant 0 : i32
      %parallel_loop3A_58 = arith.index_cast %parallel_loop3A_57 : i32 to index
      %parallel_loop3A_59 = arith.index_cast %parallel_loop3A_56 : i32 to index
      %parallel_loop3A_60 = tpu.vector_load %arg14[%parallel_loop3A_58, %parallel_loop3A_59] {strides = array<i32>} : memref<16x640xf32, #tpu.memory_space<vmem>>, vector<16xf32>,
      %parallel_loop3A_61 = arith.constant 1 : i32
      %parallel_loop3A_62 = arith.index_cast %parallel_loop3A_61 : i32 to index
      %parallel_loop3A_63 = arith.index_cast %parallel_loop3A_56 : i32 to index
      %parallel_loop3A_64 = tpu.vector_load %arg14[%parallel_loop3A_62, %parallel_loop3A_63] {strides = array<i32>} : memref<16x640xf32, #tpu.memory_space<vmem>>, vector<16xf32>,
      %parallel_loop3A_65 = arith.addf %parallel_loop3A_60, %parallel_loop3A_64 : vector<16xf32>
      %parallel_loop3A_66 = arith.constant 2 : i32
      %parallel_loop3A_67 = arith.index_cast %parallel_loop3A_66 : i32 to index
      %parallel_loop3A_68 = arith.index_cast %parallel_loop3A_56 : i32 to index
      %parallel_loop3A_69 = tpu.vector_load %arg14[%parallel_loop3A_67, %parallel_loop3A_68] {strides = array<i32>} : memref<16x640xf32, #tpu.memory_space<vmem>>, vector<16xf32>,
      %parallel_loop3A_70 = arith.addf %parallel_loop3A_65, %parallel_loop3A_69 : vector<16xf32>
      %parallel_loop3A_71 = arith.constant 3 : i32
      %parallel_loop3A_72 = arith.index_cast %parallel_loop3A_71 : i32 to index
      %parallel_loop3A_73 = arith.index_cast %parallel_loop3A_56 : i32 to index
      %parallel_loop3A_74 = tpu.vector_load %arg14[%parallel_loop3A_72, %parallel_loop3A_73] {strides = array<i32>} : memref<16x640xf32, #tpu.memory_space<vmem>>, vector<16xf32>,
      %parallel_loop3A_75 = arith.addf %parallel_loop3A_70, %parallel_loop3A_74 : vector<16xf32>
      %parallel_loop3A_76 = arith.constant 4 : i32
      %parallel_loop3A_77 = arith.index_cast %parallel_loop3A_76 : i32 to index
      %parallel_loop3A_78 = arith.index_cast %parallel_loop3A_56 : i32 to index
      %parallel_loop3A_79 = tpu.vector_load %arg14[%parallel_loop3A_77, %parallel_loop3A_78] {strides = array<i32>} : memref<16x640xf32, #tpu.memory_space<vmem>>, vector<16xf32>,
      %parallel_loop3A_80 = arith.addf %parallel_loop3A_75, %parallel_loop3A_79 : vector<16xf32>
      %parallel_loop3A_81 = arith.constant 5 : i32
      %parallel_loop3A_82 = arith.index_cast %parallel_loop3A_81 : i32 to index
      %parallel_loop3A_83 = arith.index_cast %parallel_loop3A_56 : i32 to index
      %parallel_loop3A_84 = tpu.vector_load %arg14[%parallel_loop3A_82, %parallel_loop3A_83] {strides = array<i32>} : memref<16x640xf32, #tpu.memory_space<vmem>>, vector<16xf32>,
      %parallel_loop3A_85 = arith.addf %parallel_loop3A_80, %parallel_loop3A_84 : vector<16xf32>
      %parallel_loop3A_86 = arith.constant 6 : i32
      %parallel_loop3A_87 = arith.index_cast %parallel_loop3A_86 : i32 to index
      %parallel_loop3A_88 = arith.index_cast %parallel_loop3A_56 : i32 to index
      %parallel_loop3A_89 = tpu.vector_load %arg14[%parallel_loop3A_87, %parallel_loop3A_88] {strides = array<i32>} : memref<16x640xf32, #tpu.memory_space<vmem>>, vector<16xf32>,
      %parallel_loop3A_90 = arith.addf %parallel_loop3A_85, %parallel_loop3A_89 : vector<16xf32>
      %parallel_loop3A_91 = arith.constant 7 : i32
      %parallel_loop3A_92 = arith.index_cast %parallel_loop3A_91 : i32 to index
      %parallel_loop3A_93 = arith.index_cast %parallel_loop3A_56 : i32 to index
      %parallel_loop3A_94 = tpu.vector_load %arg14[%parallel_loop3A_92, %parallel_loop3A_93] {strides = array<i32>} : memref<16x640xf32, #tpu.memory_space<vmem>>, vector<16xf32>,
      %parallel_loop3A_95 = arith.addf %parallel_loop3A_90, %parallel_loop3A_94 : vector<16xf32>
      %parallel_loop3A_96 = arith.constant 8 : i32
      %parallel_loop3A_97 = arith.index_cast %parallel_loop3A_96 : i32 to index
      %parallel_loop3A_98 = arith.index_cast %parallel_loop3A_56 : i32 to index
      %parallel_loop3A_99 = tpu.vector_load %arg14[%parallel_loop3A_97, %parallel_loop3A_98] {strides = array<i32>} : memref<16x640xf32, #tpu.memory_space<vmem>>, vector<16xf32>,
      %parallel_loop3A_100 = arith.addf %parallel_loop3A_95, %parallel_loop3A_99 : vector<16xf32>
      %parallel_loop3A_101 = arith.constant 9 : i32
      %parallel_loop3A_102 = arith.index_cast %parallel_loop3A_101 : i32 to index
      %parallel_loop3A_103 = arith.index_cast %parallel_loop3A_56 : i32 to index
      %parallel_loop3A_104 = tpu.vector_load %arg14[%parallel_loop3A_102, %parallel_loop3A_103] {strides = array<i32>} : memref<16x640xf32, #tpu.memory_space<vmem>>, vector<16xf32>,
      %parallel_loop3A_105 = arith.addf %parallel_loop3A_100, %parallel_loop3A_104 : vector<16xf32>
      %parallel_loop3A_106 = arith.constant 10 : i32
      %parallel_loop3A_107 = arith.index_cast %parallel_loop3A_106 : i32 to index
      %parallel_loop3A_108 = arith.index_cast %parallel_loop3A_56 : i32 to index
      %parallel_loop3A_109 = tpu.vector_load %arg14[%parallel_loop3A_107, %parallel_loop3A_108] {strides = array<i32>} : memref<16x640xf32, #tpu.memory_space<vmem>>, vector<16xf32>,
      %parallel_loop3A_110 = arith.addf %parallel_loop3A_105, %parallel_loop3A_109 : vector<16xf32>
      %parallel_loop3A_111 = arith.constant 11 : i32
      %parallel_loop3A_112 = arith.index_cast %parallel_loop3A_111 : i32 to index
      %parallel_loop3A_113 = arith.index_cast %parallel_loop3A_56 : i32 to index
      %parallel_loop3A_114 = tpu.vector_load %arg14[%parallel_loop3A_112, %parallel_loop3A_113] {strides = array<i32>} : memref<16x640xf32, #tpu.memory_space<vmem>>, vector<16xf32>,
      %parallel_loop3A_115 = arith.addf %parallel_loop3A_110, %parallel_loop3A_114 : vector<16xf32>
      %parallel_loop3A_116 = arith.constant 12 : i32
      %parallel_loop3A_117 = arith.index_cast %parallel_loop3A_116 : i32 to index
      %parallel_loop3A_118 = arith.index_cast %parallel_loop3A_56 : i32 to index
      %parallel_loop3A_119 = tpu.vector_load %arg14[%parallel_loop3A_117, %parallel_loop3A_118] {strides = array<i32>} : memref<16x640xf32, #tpu.memory_space<vmem>>, vector<16xf32>,
      %parallel_loop3A_120 = arith.addf %parallel_loop3A_115, %parallel_loop3A_119 : vector<16xf32>
      %parallel_loop3A_121 = arith.constant 13 : i32
      %parallel_loop3A_122 = arith.index_cast %parallel_loop3A_121 : i32 to index
      %parallel_loop3A_123 = arith.index_cast %parallel_loop3A_56 : i32 to index
      %parallel_loop3A_124 = tpu.vector_load %arg14[%parallel_loop3A_122, %parallel_loop3A_123] {strides = array<i32>} : memref<16x640xf32, #tpu.memory_space<vmem>>, vector<16xf32>,
      %parallel_loop3A_125 = arith.addf %parallel_loop3A_120, %parallel_loop3A_124 : vector<16xf32>
      %parallel_loop3A_126 = arith.constant 14 : i32
      %parallel_loop3A_127 = arith.index_cast %parallel_loop3A_126 : i32 to index
      %parallel_loop3A_128 = arith.index_cast %parallel_loop3A_56 : i32 to index
      %parallel_loop3A_129 = tpu.vector_load %arg14[%parallel_loop3A_127, %parallel_loop3A_128] {strides = array<i32>} : memref<16x640xf32, #tpu.memory_space<vmem>>, vector<16xf32>,
      %parallel_loop3A_130 = arith.addf %parallel_loop3A_125, %parallel_loop3A_129 : vector<16xf32>
      %parallel_loop3A_131 = arith.constant 15 : i32
      %parallel_loop3A_132 = arith.index_cast %parallel_loop3A_131 : i32 to index
      %parallel_loop3A_133 = arith.index_cast %parallel_loop3A_56 : i32 to index
      %parallel_loop3A_134 = tpu.vector_load %arg14[%parallel_loop3A_132, %parallel_loop3A_133] {strides = array<i32>} : memref<16x640xf32, #tpu.memory_space<vmem>>, vector<16xf32>,
      %parallel_loop3A_135 = arith.addf %parallel_loop3A_130, %parallel_loop3A_134 : vector<16xf32>
      %parallel_loop3A_136 = arith.index_cast %parallel_loop3A_56 : i32 to index
      %parallel_loop3A_137 = tpu.vector_load %arg15[%parallel_loop3A_136] {strides = array<i32>} : memref<640xf32, #tpu.memory_space<vmem>>, vector<16xf32>,
      %parallel_loop3A_138 = arith.divf %parallel_loop3A_135, %parallel_loop3A_137 : vector<16xf32>
      %parallel_loop3A_139 = arith.index_cast %parallel_loop3A_56 : i32 to index
      %parallel_loop3A_140 = tpu.vector_load %arg17[%parallel_loop3A_139] {strides = array<i32>} : memref<640xf32, #tpu.memory_space<vmem>>, vector<16xf32>,
      %parallel_loop3A_141 = arith.index_cast %parallel_loop3A_56 : i32 to index
      %parallel_loop3A_142 = tpu.vector_load %arg18[%parallel_loop3A_141] {strides = array<i32>} : memref<640xf32, #tpu.memory_space<vmem>>, vector<16xf32>,
      %parallel_loop3A_143 = arith.subf %parallel_loop3A_140, %parallel_loop3A_142 : vector<16xf32>
      %parallel_loop3A_144 = arith.constant 1.000000e+02 : f32
      %parallel_loop3A_145 = vector.broadcast %parallel_loop3A_144 : f32 to vector<16xf32>
      %parallel_loop3A_146 = arith.mulf %parallel_loop3A_143, %parallel_loop3A_145 : vector<16xf32>
      %parallel_loop3A_147 = arith.index_cast %parallel_loop3A_56 : i32 to index
      %parallel_loop3A_148 = tpu.vector_load %arg16[%parallel_loop3A_147] {strides = array<i32>} : memref<640xf32, #tpu.memory_space<vmem>>, vector<16xf32>,
      %parallel_loop3A_149 = arith.index_cast %parallel_loop3A_56 : i32 to index
      %parallel_loop3A_150 = tpu.vector_load %arg18[%parallel_loop3A_149] {strides = array<i32>} : memref<640xf32, #tpu.memory_space<vmem>>, vector<16xf32>,
      %parallel_loop3A_151 = arith.mulf %parallel_loop3A_148, %parallel_loop3A_150 : vector<16xf32>
      %parallel_loop3A_152 = arith.addf %parallel_loop3A_146, %parallel_loop3A_151 : vector<16xf32>
      %parallel_loop3A_153 = arith.constant 0.00999999977 : f32
      %parallel_loop3A_154 = vector.broadcast %parallel_loop3A_153 : f32 to vector<16xf32>
      %parallel_loop3A_155 = arith.mulf %parallel_loop3A_154, %parallel_loop3A_138 : vector<16xf32>
      %parallel_loop3A_156 = arith.subf %parallel_loop3A_152, %parallel_loop3A_155 : vector<16xf32>
      %parallel_loop3A_157 = arith.index_cast %parallel_loop3A_56 : i32 to index
      %parallel_loop3A_158 = tpu.vector_load %arg19[%parallel_loop3A_157] {strides = array<i32>} : memref<640xf32, #tpu.memory_space<vmem>>, vector<16xf32>,
      tpu.vector_store %arg19[%parallel_loop3A_157], %parallel_loop3A_156 {strides = array<i32>} : memref<640xf32, #tpu.memory_space<vmem>>, vector<16xf32>,
    } {sc.loop_unroll_factor = 2 : i64, sc.parallel_access}
    "tpu.region"() ({
      %run_scoped3A = tpu.sem_alloc : memref<!tpu.dma_semaphore, #tpu.memory_space<semaphore_mem>>
      %dma_start3A_53 = tpu.memref_slice %arg7[%multiple_of3A_3] : memref<10240xf32, #tpu.memory_space<hbm>> -> memref<640xf32, #tpu.memory_space<hbm>>
      %dma_start3A_54 = tpu.memref_slice %arg7[%multiple_of3A_3] : memref<10240xf32, #tpu.memory_space<hbm>> -> memref<640xf32, #tpu.memory_space<hbm>>
      tpu.enqueue_dma source(%arg19 : memref<640xf32, #tpu.memory_space<vmem>>) target(%dma_start3A_54 : memref<640xf32, #tpu.memory_space<hbm>>) target_semaphore(%run_scoped3A : memref<!tpu.dma_semaphore, #tpu.memory_space<semaphore_mem>>)
      %dma_wait3A_55 = tpu.memref_slice %arg7[%multiple_of3A_3] : memref<10240xf32, #tpu.memory_space<hbm>> -> memref<640xf32, #tpu.memory_space<hbm>>
      %dma_wait3A_56 = tpu.memref_slice %arg7[%multiple_of3A_3] : memref<10240xf32, #tpu.memory_space<hbm>> -> memref<640xf32, #tpu.memory_space<hbm>>
      tpu.wait_dma2 semaphore(%run_scoped3A : memref<!tpu.dma_semaphore, #tpu.memory_space<semaphore_mem>>) src(%arg19 : memref<640xf32, #tpu.memory_space<vmem>>) dst(%dma_wait3A_56 : memref<640xf32, #tpu.memory_space<hbm>>)
      tpu.yield
    }) : () -> ()
    return
  }
}

</mosaic_0001>

<sc_bundles>
// kernel: kernel.3.cloned.1.call-start
scs
__scs_entry_jumppad:
0x0: {  	(pc) =	sbr.rel $0x88, $3  }
0x1: {  	(tag) =	ssettag $0x0;
	lr =	simm.s32 $0x1  }
0x2: {  	[smem:$0x3F9D] =	sst lr;
	_ =	strace $0xD0000000  }
0x3: {  	_ = 	snop  }
0x4: {  	_ = 	snop  }
0x5: {  	_ = 	snop  }
0x6: {  	_ = 	snop  }
0x7: {  	_ = 	snop  }
__scs_overlays_trampoline_lowered:
0x8: {  	[smem:$0x3FAC] =	sst s0  }
0x9: {  	[smem:$0x3FAD] =	sst s1  }
0xa: {  	[smem:$0x3FAE] =	sst s2  }
0xb: {  	[smem:$0x3FAF] =	sst s3  }
0xc: {  	[smem:$0x3FB0] =	sst s4  }
0xd: {  	[smem:$0x3FB1] =	sst s5  }
0xe: {  	[smem:$0x3FB2] =	sst s6  }
0xf: {  	[smem:$0x3FB3] =	sst s7  }
0x10: {  	[smem:$0x3FB4] =	sst s8  }
0x11: {  	[smem:$0x3FB5] =	sst s9;
	s0 =	simm.s32 @!p0 $0x0  }
0x12: {  	s1 =	sld [smem:$0x3F9B];
	s0 =	simm.s32 @p0 $0x1  }
0x13: {  	[smem:$0x3FB6] =	sst s0;
	s0 =	simm.s32 @!p1 $0x0  }
0x14: {  	s2 =	sld [smem:$0x3F9A];
	s0 =	simm.s32 @p1 $0x1  }
0x15: {  	[smem:$0x3FB7] =	sst s0;
	s0 =	simm.s32 @!p2 $0x0  }
0x16: {  	s3 =	sld [smem:$0x3FDB];
	s0 =	simm.s32 @p2 $0x1  }
0x17: {  	s4 =	simm.s32 $0x1BF5;
	[smem:$0x3FB9] =	sst s0  }
0x18: {  	s0 =	sld [smem:$0x3F9C];
	_ =	swait.ge [sflag:s4], $0x0  }
0x19: {  	s7 =	sld [smem:$0x3F9D]  }
0x1a: {  	s8 =	sadd.s32 $0xFFFFE003, lr  }
0x1b: {  	s9 =	sadd.s32 $0xFFFFFEF7, lr;
	s5 =	simm.s32 $0xFFFFFFFF;
	p2 =	slt.u32 s8, $0xFFFFF086  }
0x1c: {  	p1 =	slt.u32 s9, $0xF7A;
	s5 =	simm.s32 @!p2 $0x0  }
0x1d: {  	s5 =	simm.s32 @p1 $0x1;
	p0 =	seq.s32 s7, s2  }
0x1e: {  	s7 =	smul.u32 @!p0 $0xF7A, s2;
	p2 =	seq.s32 @!p0 s5, $0x0  }
0x1f: {  	s9 =	smul.u32 $0xF7A, s1;
	s8 =	simm.s32 @!p0 $0x1BF5;
	p2 =	por !p2, p0  }
0x20: {  	[sflag:s8] =	ssyncset.s32 @!p0 $0xFFFFF086;
	s6 =	sadd.s32 @!p0 s3, s7;
	s7 =	simm.s32 @!p0 $0x108  }
0x21: {  	s3 =	sadd.s32 s3, s9;
	s6 =	sadd.s32 @!p0 $0x88, s6;
	s7 =	simm.s32 @p2 $0x1082  }
0x22: {  	[simem:s7], [sflag:s8] =	dma.local @!p0 [hbm:s6], $0xF7A  }
0x23: {  	s9 =	sor.u32 $0xD0000000, s2;
	s6 =	simm.s32 $0x108;
	_ =	swait.ge @!p0 [sflag:s8], $0x0  }
0x24: {  	s3 =	sadd.s32 $0x88, s3;
	s6 =	simm.s32 @!p1 $0x1082;
	[sflag:s4] =	ssyncset.s32 $0xFFFFF086  }
0x25: {  	[simem:s6], [sflag:s4] =	dma.local [hbm:s3], $0xF7A  }
0x26: {  	[smem:$0x3F9D] =	sst s1;
	(tag) =	ssettag s2;
	_ =	strace s9  }
0x27: {  	s1 =	sld [smem:$0x3FAD]  }
0x28: {  	s2 =	sld [smem:$0x3FAE]  }
0x29: {  	s4 =	sld [smem:$0x3FB0]  }
0x2a: {  	p0 =	seq.s32 s5, $0x0;
	s5 =	sld [smem:$0x3FB1]  }
0x2b: {  	s6 =	sld [smem:$0x3FB2]  }
0x2c: {  	s7 =	sld [smem:$0x3FB3]  }
0x2d: {  	s3 =	simm.s32 $0x108;
	s8 =	sld [smem:$0x3FB4]  }
0x2e: {  	s3 =	simm.s32 @!p0 $0x1082;
	s9 =	sld [smem:$0x3FB5]  }
0x2f: {  	lr =	sadd.s32 s0, s3;
	s0 =	sld [smem:$0x3FAC]  }
0x30: {  	s3 =	sld [smem:$0x3FAF]  }
0x31: {  	[smem:$0x3FB8] =	sst s10  }
0x32: {  	s10 =	sld [smem:$0x3FB6];
	_ =	sdelay $0x3  }
0x33: {  	p0 =	seq.s32 s10, $0x1;
	s10 =	sld [smem:$0x3FB8];
	_ =	sdelay $0x3  }
0x34: {  	[smem:$0x3FB8] =	sst s10  }
0x35: {  	s10 =	sld [smem:$0x3FB7];
	_ =	sdelay $0x3  }
0x36: {  	p1 =	seq.s32 s10, $0x1;
	s10 =	sld [smem:$0x3FB8];
	_ =	sdelay $0x3  }
0x37: {  	[smem:$0x3FB8] =	sst s10  }
0x38: {  	s10 =	sld [smem:$0x3FB9]  }
0x39: {  	_ = 	snop;
	(pc) =	sbr.ind lr, $3  }
0x3a: {  	_ = 	snop  }
0x3b: {  	_ = 	snop  }
0x3c: {  	p2 =	seq.s32 s10, $0x1;
	s10 =	sld [smem:$0x3FB8]  }
0x3d: {  	_ =	shalt  }
0x3e: {  	_ =	shalt  }
0x3f: {  	_ =	shalt  }
0x40: {  	_ =	shalt  }
0x41: {  	_ =	shalt  }
0x42: {  	_ =	shalt  }
0x43: {  	_ =	shalt  }
0x44: {  	_ =	shalt  }
0x45: {  	_ =	shalt  }
0x46: {  	_ =	shalt  }
0x47: {  	_ =	shalt  }
0x48: {  	_ =	shalt  }
0x49: {  	_ =	shalt  }
0x4a: {  	_ =	shalt  }
0x4b: {  	_ =	shalt  }
0x4c: {  	_ =	shalt  }
0x4d: {  	_ =	shalt  }
0x4e: {  	_ =	shalt  }
0x4f: {  	_ =	shalt  }
0x50: {  	_ =	shalt  }
0x51: {  	_ =	shalt  }
0x52: {  	_ =	shalt  }
0x53: {  	_ =	shalt  }
0x54: {  	_ =	shalt  }
0x55: {  	_ =	shalt  }
0x56: {  	_ =	shalt  }
0x57: {  	_ =	shalt  }
0x58: {  	_ =	shalt  }
0x59: {  	_ =	shalt  }
0x5a: {  	_ =	shalt  }
0x5b: {  	_ =	shalt  }
0x5c: {  	_ =	shalt  }
0x5d: {  	_ =	shalt  }
0x5e: {  	_ =	shalt  }
0x5f: {  	_ =	shalt  }
0x60: {  	_ =	shalt  }
0x61: {  	_ =	shalt  }
0x62: {  	_ =	shalt  }
0x63: {  	_ =	shalt  }
0x64: {  	_ =	shalt  }
0x65: {  	_ =	shalt  }
0x66: {  	_ =	shalt  }
0x67: {  	_ =	shalt  }
0x68: {  	_ =	shalt  }
0x69: {  	_ =	shalt  }
0x6a: {  	_ =	shalt  }
0x6b: {  	_ =	shalt  }
0x6c: {  	_ =	shalt  }
0x6d: {  	_ =	shalt  }
0x6e: {  	_ =	shalt  }
0x6f: {  	_ =	shalt  }
0x70: {  	_ =	shalt  }
0x71: {  	_ =	shalt  }
0x72: {  	_ =	shalt  }
0x73: {  	_ =	shalt  }
0x74: {  	_ =	shalt  }
0x75: {  	_ =	shalt  }
0x76: {  	_ =	shalt  }
0x77: {  	_ =	shalt  }
0x78: {  	_ =	shalt  }
0x79: {  	_ =	shalt  }
0x7a: {  	_ =	shalt  }
0x7b: {  	_ =	shalt  }
0x7c: {  	_ =	shalt  }
0x7d: {  	_ =	shalt  }
0x7e: {  	_ =	shalt  }
0x7f: {  	_ =	shalt  }
0x80: {  	_ =	shalt  }
0x81: {  	_ =	shalt  }
0x82: {  	_ =	shalt  }
0x83: {  	_ =	shalt  }
0x84: {  	_ =	shalt  }
0x85: {  	_ =	shalt  }
0x86: {  	_ =	shalt  }
0x87: {  	_ =	shalt  }
.Lfunc_end0:
.L_simem_size_0:
called_computation_lowered:
.L_overlay_start_0:
0x88: {  	s0 =	sld [smem:$0x3FD9]  }
0x89: {  	s1 =	sld [smem:$0x3FFE];
	_ =	sdelay $0x3  }
0x8a: {  	s0 =	sadd.s32 s1, s0  }
0x8b: {  	[smem:$0x3FC4] =	sst s0  }
0x8c: {  	_ = 	snop  }
0x8d: {  	s0 =	sld [smem:$0x3FD0];
	(tm) =	ssettm $0x1  }
0x8e: {  	s16 =	sld [smem:$0x3FFB];
	_ =	sdelay $0x3  }
0x8f: {  	_ =	strace s16  }
0x90: {  	s1 =	sld [smem:$0x3FFC];
	_ =	sdelay $0x3  }
0x91: {  	_ =	strace s1  }
0x92: {  	s1 =	sld [smem:$0x3FFD];
	_ =	sdelay $0x3  }
0x93: {  	_ =	strace s1  }
0x94: {  	_ =	strace $0x8FFFFFFF  }
0x95: {  	s17 =	sld [smem:$0x3FDB];
	_ =	sdelay $0x1  }
0x96: {  	s2 =	simm.s32 $_scs_section_size  }
0x97: {  	s3 =	simm.s32 $_size__tile_overlayer_lowered;
	s4 =	simm.s32 $_tile_overlayer_lowered  }
0x98: {  	s20 =	simm.s32 $0x1BFF;
	s19 =	sshll.u32 s4, $0x1;
	s1 =	sadd.s32 s2, s17  }
0x99: {  	s5 =	simm.s32 $0x0;
	s18 =	sshll.u32 s3, $0x1;
	s3 =	sadd.s32 s19, s1  }
0x9a: {  	[timem:s5], [sflag:s20] =	dma.local [hbm:s3], s18  }
0x9b: {  	_ =	swait.ge [sflag:s20], s18  }
0x9c: {  	s2 =	ssub.s32 $0x0, s18;
	[sflag:s20] =	ssyncset.done $0x0  }
0x9d: {  	[sflag:s20] =	ssyncadd.s32 s2;
	_ =	sdelay $0x1  }
0x9e: {  	s21 =	simm.s32 $0x1B8B  }
0x9f: {  	_ =	swait.ge [sflag:s21], $0x1  }
0xa0: {  	[sflag:s21] =	ssyncset.done $0x0  }
0xa1: {  	s23 =	simm.s32 $0x1B8E;
	s22 =	sld [smem:$0x3FFE];
	[sflag:s21] =	ssyncadd.s32 $0xFFFFFFFF  }
0xa2: {  	s24 =	simm.s32 $execute0_lowered;
	[smem:$0x3FD2] =	sst s23  }
0xa3: {  	s3 =	sshll.u32 s24, $0x1;
	_ =	strace $0x80000046;
	[dreg:$0x1] =	wrdreg $0xFFFFFFFF  }
0xa4: {  	s25 =	simm.s32 $_size_execute0_lowered;
	s1 =	sadd.s32 s1, s3;
	[dreg:$0x0] =	wrdreg $0x0  }
0xa5: {  	s3 =	sshll.u32 s25, $0x1;
	[dreg:$0x2] =	wrdreg s1  }
0xa6: {  	[dreg:$0x3] =	wrdreg s3  }
0xa7: {  	[dreg:$0x4] =	wrdreg $0xC0  }
0xa8: {  	_ =	task [dreg:s5], $0x5FFFF  }
0xa9: {  	[dreg:$0x1] =	wrdreg $0xFFFFFFFF  }
0xaa: {  	[dreg:$0x0] =	wrdreg $0x60  }
0xab: {  	[dreg:$0x2] =	wrdreg s22  }
0xac: {  	[dreg:$0x3] =	wrdreg s0  }
0xad: {  	[dreg:$0x4] =	wrdreg $0x198000  }
0xae: {  	[dreg:$0x5] =	wrdreg $0x1C0000  }
0xaf: {  	[dreg:$0x6] =	wrdreg $0x1E8000  }
0xb0: {  	[dreg:$0x7] =	wrdreg $0x9  }
0xb1: {  	_ =	task.clear_ibuf [dreg:s5], $0x8FFFF;
	_ =	strace $0x90000046  }
0xb2: {  	s26 =	simm.s32 $0x9;
	_ =	strace $0x80000048  }
0xb3: {  	_ =	swait.ge [sflag:s26], $0x1  }
0xb4: {  	[sflag:s26] =	ssyncadd.s32 $0xFFFFFFFF  }
0xb5: {  	_ =	strace $0x90000048  }
0xb6: {  	_ =	sfence  }
0xb7: {  	s28 =	sld [smem:$0x0];
	_ =	sdelay $0x1  }
0xb8: {  	s29 =	srdreg.scid  }
0xb9: {  	s30 =	sshll.u32 s29, $0xD;
	s31 =	sshrl.u32 s29, $0x2  }
0xba: {  	s2 =	sand.u32 $0x4000, s30;
	s1 =	sand.u32 $0x1, s29;
	s0 =	sadd.s32 s31, s28  }
0xbb: {  	s1 =	sor.u32 s2, s1;
	s0 =	sshll.u32 s0, $0x11  }
0xbc: {  	s0 =	sor.u32 s0, s1  }
0xbd: {  	s0 =	sadd.s32 $0x8F2B, s0  }
0xbe: {  	[sflag:s0] =	ssyncadd.remote.s32 $0x1  }
0xbf: {  	_ =	sfence.sel $0xFFFF  }
0xc0: {  	[dreg:$0x0] =	wrdreg $0xFFFFFFFF;
	(pc) =	sbr.abs _section_cstart, $3  }
0xc1: {  	[dreg:$0x1] =	wrdreg $0xFFFFFFFF  }
0xc2: {  	_ =	task.clear_ibuf [dreg:s5], $0x2FFFF;
	_ =	strace $0x9FFFFFFF  }
0xc3: {  	(tm) =	ssettm $0x7FFFFFFF  }
tec
execute0_lowered:
.L_overlay_start_1:
0x0: {  	(tag) =	ssettag $0x1  }
0x1: {  	s4 =	rddreg [dreg:$0x0]  }
0x2: {  	s2 =	rddreg [dreg:$0x1]  }
0x3: {  	s3 =	rddreg [dreg:$0x2]  }
0x4: {  	s6 =	rddreg [dreg:$0x3];
	s0 =	stileid.u32  }
0x5: {  	s5 =	rddreg [dreg:$0x4];
	s7 =	smul.u32 $0x9C4, s0  }
0x6: {  	s1 =	rddreg [dreg:$0x5];
	s8 =	simm.s32 $0x0  }
0x7: {  	[smem:$0x7FF] =	sst s8;
	s7 =	sadd.s32 s4, s7  }
0x8: {  	s10 =	simm.s32 $0x2800;
	_ =	strace $0x80000047;
	s9 =	sadd.s32 $0x9E00, s7  }
0x9: {  	[tilespmem:s10], [sflag:$0x1] =	stream.linear.gather [hbm4b:s9+s8], $0x4E20, $0x38;
	[tilespmem:$0x1EA80] =	vst v63  }
0xa: {  	s25 =	simm.s32 $0x7680;
	s11 =	simm.s32 $0xC500  }
0xb: {  	[tilespmem:s25], [sflag:$0x1] =	stream.linear.gather [hbm4b:s7+s8], $0x4E20, $0x38;
	[tilespmem:$0x1EA80] =	vst v63  }
0xc: {  	s26 =	smul.u32 $0x280, s0;
	p0 =	sne.s32 s0, $0xF;
	s7 =	sadd.s32 $0x14800, s7  }
0xd: {  	[tilespmem:s11], [sflag:$0x1] =	stream.linear.gather [hbm4b:s7+s8], $0x4E20, $0x38;
	[tilespmem:$0x1EA80] =	vst v63  }
0xe: {  	s9 =	sadd.s32 $0x14200, s4;
	s4 =	sadd.s32 $0x13C00, s4;
	s11 =	sshrl.u32 s26, $0x3  }
0xf: {  	[tilespmem:s8], [sflag:$0x1] =	stream.linear.gather [hbm4b:s4+s8], $0x2710, $0x38;
	[tilespmem:$0x1EA80] =	vst v63  }
0x10: {  	s12 =	simm.s32 @p0 $0x19080;
	s7 =	sadd.s32 @p0 s9, s11;
	s8 =	simm.s32 @p0 $0x0  }
0x11: {  	[tilespmem:s12], [sflag:$0x2] =	stream.linear.gather @p0 [hbm4b:s7+s8], $0x280, $0x38;
	[tilespmem:$0x1EA80] =	vst v63  }
0x12: {  	s7 =	simm.s32 @p0 $0x2  }
0x13: {  	_ =	swait.ge @p0 [sflag:s7], $0x280  }
0x14: {  	[sflag:s7] =	ssyncset.done @p0 $0x0  }
0x15: {  	s13 =	simm.s32 @p0 $0x19300;
	s12 =	sadd.s32 @p0 s4, s11;
	[sflag:s7] =	ssyncadd.s32 @p0 $0xFFFFFD80  }
0x16: {  	[tilespmem:s13], [sflag:$0x2] =	stream.linear.gather @p0 [hbm4b:s12+s8], $0x280, $0x38;
	[tilespmem:$0x1EA80] =	vst v63  }
0x17: {  	_ =	swait.ge @p0 [sflag:s7], $0x280  }
0x18: {  	s8 =	simm.s32 @!p0 $0x0;
	[sflag:s7] =	ssyncset.done @p0 $0x0  }
0x19: {  	[sflag:s7] =	ssyncadd.s32 @p0 $0xFFFFFD80;
	s7 =	sadd.s32 @!p0 $0x4B0, s9;
	s9 =	simm.s32 @!p0 $0x19080  }
0x1a: {  	[tilespmem:s9], [sflag:$0x2] =	stream.linear.gather @!p0 [hbm4b:s7+s8], $0x190, $0x38;
	[tilespmem:$0x1EA80] =	vst v63  }
0x1b: {  	s7 =	simm.s32 @!p0 $0x2  }
0x1c: {  	_ =	swait.ge @!p0 [sflag:s7], $0x190  }
0x1d: {  	[sflag:s7] =	ssyncset.done @!p0 $0x0  }
0x1e: {  	s4 =	sadd.s32 @!p0 $0x4B0, s4;
	s9 =	simm.s32 @!p0 $0x19300;
	[sflag:s7] =	ssyncadd.s32 @!p0 $0xFFFFFE70  }
0x1f: {  	[tilespmem:s9], [sflag:$0x2] =	stream.linear.gather @!p0 [hbm4b:s4+s8], $0x190, $0x38;
	[tilespmem:$0x1EA80] =	vst v63  }
0x20: {  	_ =	swait.ge @!p0 [sflag:s7], $0x190  }
0x21: {  	[sflag:s7] =	ssyncset.done @!p0 $0x0  }
0x22: {  	s28 =	simm.s32 $0x113A0;
	v0 =	vimm.f32 $0.0e+00;
	[sflag:s7] =	ssyncadd.s32 @!p0 $0xFFFFFE70  }
0x23: {  	[tilespmem:s28+$0xFFFFFFF0] =	vst v0  }
0x24: {  	[tilespmem:s28+$0x0] =	vst v0  }
0x25: {  	s29 =	sshrl.u32 s0, $0x3;
	[tilespmem:s28+$0x10] =	vst v0  }
0x26: {  	s30 =	sshll.u32 s0, $0x7;
	s9 =	simm.s32 $0x13BA0;
	s4 =	smul.u32 $0x14000, s29;
	[tilespmem:s28+$0xFFFFFFE0] =	vst v0  }
0x27: {  	s31 =	smul.u32 $0x1400, s0;
	s7 =	sand.u32 $0x380, s30;
	[tilespmem:s9+$0xFFFFFFF0] =	vst v0  }
0x28: {  	s10 =	simm.s32 $0x0;
	s2 =	sadd.s32 s2, s11;
	s7 =	sor.u32 s7, s4;
	[tilespmem:s9+$0x0] =	vst v0  }
0x29: {  	s11 =	simm.s32 $0x113E0;
	s4 =	sadd.s32 s7, s3;
	s8 =	sadd.s32 s7, s6;
	[tilespmem:s9+$0x10] =	vst v0  }
0x2a: {  	s3 =	sadd.s32 s31, s3;
	s7 =	sadd.s32 s31, s6;
	s6 =	sadd.s32 s26, s5;
	[tilespmem:s9+$0xFFFFFFE0] =	vst v0  }
.LBB2_1:
0x2b: {  	[tilespmem:s11+$0xFFFFFFF0] =	vst v0;
	s9 =	sadd.s32 $0x40, s9  }
0x2c: {  	s10 =	sadd.s32 $0x4, s10;
	[tilespmem:s9+$0xFFFFFFF0] =	vst v0  }
0x2d: {  	p0 =	slt.u32 s10, $0x27C;
	[tilespmem:s11+$0x0] =	vst v0  }
.Ltmp0:
0x2e: {  	[tilespmem:s9+$0x0] =	vst v0;
	(pc) =	sbr.rel @p0 .LBB2_1-.Ltmp0, $4  }
0x2f: {  	[tilespmem:s11+$0x10] =	vst v0  }
0x30: {  	[tilespmem:s9+$0x10] =	vst v0  }
0x31: {  	[tilespmem:s11+$0xFFFFFFE0] =	vst v0  }
0x32: {  	s11 =	sadd.s32 $0x40, s11;
	[tilespmem:s9+$0xFFFFFFE0] =	vst v0  }
0x33: {  	s9 =	simm.s32 $0x1  }
0x34: {  	_ =	swait.ge [sflag:s9], $0x4E20  }
0x35: {  	[sflag:s9] =	ssyncset.done $0x0  }
0x36: {  	[sflag:s9] =	ssyncadd.s32 $0xFFFFB1E0  }
0x37: {  	_ =	swait.ge [sflag:s9], $0x4E20  }
0x38: {  	[sflag:s9] =	ssyncset.done $0x0  }
0x39: {  	[sflag:s9] =	ssyncadd.s32 $0xFFFFB1E0  }
0x3a: {  	_ =	swait.ge [sflag:s9], $0x4E20  }
0x3b: {  	[sflag:s9] =	ssyncset.done $0x0  }
0x3c: {  	[sflag:s9] =	ssyncadd.s32 $0xFFFFB1E0  }
0x3d: {  	_ =	swait.ge [sflag:s9], $0x2710  }
0x3e: {  	[sflag:s9] =	ssyncset.done $0x0  }
0x3f: {  	s12 =	simm.s32 $0xC520;
	[sflag:s9] =	ssyncadd.s32 $0xFFFFD8F0  }
0x40: {  	v0 =	vld [tilespmem:s12+$0x10];
	_ =	sdelay $0x1  }
0x41: {  	v1 =	vld [tilespmem:s12+$0xFFFFFFE0]  }
0x42: {  	v2 =	vld [tilespmem:s12+$0xFFFFFFF0];
	_ =	sdelay $0x1  }
0x43: {  	(erf) = vrcp.f32 v0;
	v0 =	vld [tilespmem:s12+$0x0];
	_ =	sdelay $0x1  }
0x44: {  	s9 =	simm.s32 $0x2820;
	(erf) = vrcp.f32 v1  }
0x45: {  	s10 =	simm.s32 $0x76A0;
	v3 =	vld [tilespmem:s9+$0x10];
	(erf) = vrcp.f32 v2  }
0x46: {  	v4 =	vld [tilespmem:s10+$0x10]  }
0x47: {  	v1 =	vld [tilespmem:s10+$0xFFFFFFE0];
	(erf) = vrcp.f32 v0  }
0x48: {  	v9 =	vld [tilespmem:s9+$0xFFFFFFF0]  }
0x49: {  	v2 =	vld [tilespmem:s10+$0xFFFFFFF0]  }
0x4a: {  	v11 =	vld [tilespmem:s9+$0x0]  }
0x4b: {  	v0 =	vld [tilespmem:s10+$0x0];
	v14 =	vpop (erf)  }
0x4c: {  	s11 =	simm.s32 $0x0;
	v13 =	vld [tilespmem:s9+$0xFFFFFFE0];
	[tilespmem:s12+$0x10] =	vst v14  }
0x4d: {  	v5 =	vpop (erf);
	v3 =	vld.idx.msk [tilespmem:v3+s11+$0x0], $0xffff  }
0x4e: {  	v15 =	vld.idx.msk [tilespmem:v4+s11+$0x0], $0xffff;
	[tilespmem:s12+$0xFFFFFFE0] =	vst v5;
	v7 =	vpop (erf)  }
0x4f: {  	[tilespmem:s12+$0xFFFFFFF0] =	vst v7;
	v8 =	vld.idx.msk [tilespmem:v1+s11+$0x0], $0xffff  }
0x50: {  	v10 =	vld.idx.msk [tilespmem:v9+s11+$0x0], $0xffff;
	v6 =	vpop (erf)  }
0x51: {  	v12 =	vld.idx.msk [tilespmem:v2+s11+$0x0], $0xffff;
	[tilespmem:s12+$0x0] =	vst v6  }
0x52: {  	v9 =	vld.idx.msk [tilespmem:v11+s11+$0x0], $0xffff  }
0x53: {  	v15 =	vsub.f32 v15, v3;
	v11 =	vld.idx.msk [tilespmem:v0+s11+$0x0], $0xffff  }
0x54: {  	s13 =	simm.s32 $0x13B80;
	v13 =	vld.idx.msk [tilespmem:v13+s11+$0x0], $0xffff  }
0x55: {  	s14 =	simm.s32 $0x0;
	s15 =	simm.s32 $0xC560;
	s12 =	simm.s32 $0x11380;
	v3 =	vimm.f32 $1.000000000e+00;
	v14 =	vmul.f32 v15, v14  }
.LBB2_3:
0x56: {  	v15 =	vld [tilespmem:s15+$0x10];
	v10 =	vsub.f32 v12, v10  }
0x57: {  	[tilespmem:v4+s12+$0x0] =	vst.idx.add.f32.msk $0xffff, v14  }
0x58: {  	v9 =	vsub.f32 v11, v9;
	v7 =	vmul.f32 v10, v7;
	[tilespmem:v4+s13+$0x0] =	vst.idx.add.f32.msk $0xffff, v3  }
0x59: {  	v8 =	vsub.f32 v8, v13;
	v4 =	vld [tilespmem:s15+$0xFFFFFFE0]  }
0x5a: {  	s14 =	sadd.s32 $0x4, s14;
	v14 =	vmul.f32 v9, v6;
	v10 =	vld [tilespmem:s15+$0xFFFFFFF0]  }
0x5b: {  	p0 =	slt.u32 s14, $0x4DC;
	v5 =	vmul.f32 v8, v5;
	v6 =	vld [tilespmem:s15+$0x0]  }
0x5c: {  	[tilespmem:v2+s12+$0x0] =	vst.idx.add.f32.msk $0xffff, v7  }
0x5d: {  	(erf) = vrcp.f32 v15;
	[tilespmem:v1+s12+$0x0] =	vst.idx.add.f32.msk $0xffff, v5  }
0x5e: {  	(erf) = vrcp.f32 v4;
	[tilespmem:v1+s13+$0x0] =	vst.idx.add.f32.msk $0xffff, v3  }
0x5f: {  	s9 =	sadd.s32 $0x40, s9;
	(erf) = vrcp.f32 v10;
	[tilespmem:v2+s13+$0x0] =	vst.idx.add.f32.msk $0xffff, v3  }
0x60: {  	s10 =	sadd.s32 $0x40, s10;
	v7 =	vld [tilespmem:s9+$0x10];
	(erf) = vrcp.f32 v6  }
0x61: {  	v4 =	vld [tilespmem:s10+$0x10]  }
0x62: {  	v1 =	vld [tilespmem:s10+$0xFFFFFFE0]  }
0x63: {  	v9 =	vld [tilespmem:s9+$0xFFFFFFF0]  }
0x64: {  	v2 =	vld [tilespmem:s10+$0xFFFFFFF0]  }
0x65: {  	v11 =	vld [tilespmem:s9+$0x0]  }
0x66: {  	v15 =	vld [tilespmem:s10+$0x0];
	v16 =	vpop (erf)  }
0x67: {  	v13 =	vld [tilespmem:s9+$0xFFFFFFE0];
	[tilespmem:s15+$0x10] =	vst v16;
	v5 =	vpop (erf)  }
0x68: {  	[tilespmem:s15+$0xFFFFFFE0] =	vst v5;
	v17 =	vld.idx.msk [tilespmem:v7+s11+$0x0], $0xffff;
	v7 =	vpop (erf)  }
0x69: {  	[tilespmem:s15+$0xFFFFFFF0] =	vst v7;
	v18 =	vld.idx.msk [tilespmem:v4+s11+$0x0], $0xffff;
	v6 =	vpop (erf)  }
0x6a: {  	v8 =	vld.idx.msk [tilespmem:v1+s11+$0x0], $0xffff;
	[tilespmem:s15+$0x0] =	vst v6  }
0x6b: {  	v10 =	vld.idx.msk [tilespmem:v9+s11+$0x0], $0xffff  }
0x6c: {  	v12 =	vld.idx.msk [tilespmem:v2+s11+$0x0], $0xffff  }
.Ltmp1:
0x6d: {  	v9 =	vld.idx.msk [tilespmem:v11+s11+$0x0], $0xffff;
	(pc) =	sbr.rel @p0 .LBB2_3-.Ltmp1, $4  }
0x6e: {  	v11 =	vld.idx.msk [tilespmem:v15+s11+$0x0], $0xffff  }
0x6f: {  	v17 =	vsub.f32 v18, v17;
	v13 =	vld.idx.msk [tilespmem:v13+s11+$0x0], $0xffff  }
0x70: {  	[tilespmem:v0+s12+$0x0] =	vst.idx.add.f32.msk $0xffff, v14  }
0x71: {  	s15 =	sadd.s32 $0x40, s15;
	v14 =	vmul.f32 v17, v16;
	[tilespmem:v0+s13+$0x0] =	vst.idx.add.f32.msk $0xffff, v3;
	v0 =	vmov v15  }
0x72: {  	_ =	sdelay $0x1  }
0x73: {  	v10 =	vsub.f32 v12, v10;
	_ =	sdelay $0x1  }
0x74: {  	[tilespmem:v4+s12+$0x0] =	vst.idx.add.f32.msk $0xffff, v14;
	v62 =	vsub.f32 v11, v9;
	v7 =	vmul.f32 v10, v7  }
0x75: {  	v8 =	vsub.f32 v8, v13;
	[tilespmem:v4+s13+$0x0] =	vst.idx.add.f32.msk $0xffff, v3  }
0x76: {  	v63 =	vmul.f32 v62, v6;
	[tilespmem:v2+s12+$0x0] =	vst.idx.add.f32.msk $0xffff, v7  }
0x77: {  	v61 =	vmul.f32 v8, v5;
	[tilespmem:v2+s13+$0x0] =	vst.idx.add.f32.msk $0xffff, v3  }
0x78: {  	[tilespmem:v0+s12+$0x0] =	vst.idx.add.f32.msk $0xffff, v63  }
0x79: {  	[tilespmem:v1+s12+$0x0] =	vst.idx.add.f32.msk $0xffff, v61  }
0x7a: {  	s9 =	simm.s32 $0x0;
	[tilespmem:v0+s13+$0x0] =	vst.idx.add.f32.msk $0xffff, v3  }
0x7b: {  	s10 =	simm.s32 $0x11380;
	s11 =	simm.s32 $0x13B80;
	v0 =	vimm.f32 $1.000000000e+00;
	s12 =	simm.s32 $0x0;
	[tilespmem:v1+s13+$0x0] =	vst.idx.add.f32.msk $0xffff, v3  }
.LBB2_5:
0x7c: {  	s13 =	sshra.s32 s12, $0x2  }
0x7d: {  	v1 =	vld [tilespmem:s13+$0x11300];
	_ =	sdelay $0x4  }
0x7e: {  	(erf) = vrcp.f32 v1;
	_ =	sdelay $0x2  }
0x7f: {  	v1 =	vld [tilespmem:s13+$0x7600]  }
0x80: {  	v2 =	vld [tilespmem:s13+$0xC480];
	_ =	sdelay $0x4  }
0x81: {  	v3 =	vpop (erf)  }
0x82: {  	[tilespmem:s13+$0x11300] =	vst v3  }
0x83: {  	v1 =	vld.idx.msk [tilespmem:v1+s9+$0x0], $0xffff  }
0x84: {  	v4 =	vld.idx.msk [tilespmem:v2+s9+$0x0], $0xffff;
	_ =	sdelay $0x4  }
0x85: {  	p0 =	sne.s32 s12, $0x40;
	v1 =	vsub.f32 v4, v1  }
.Ltmp2:
0x86: {  	_ = 	snop;
	(pc) =	sbr.rel @p0 .LBB2_5-.Ltmp2, $3  }
0x87: {  	v1 =	vmul.f32 v1, v3;
	_ =	sdelay $0x1  }
0x88: {  	[tilespmem:v2+s10+$0x0] =	vst.idx.add.f32.msk $0xffff, v1  }
0x89: {  	s12 =	sadd.s32 $0x40, s12;
	[tilespmem:v2+s11+$0x0] =	vst.idx.add.f32.msk $0xffff, v0  }
0x8a: {  	s9 =	simm.s32 $0x80  }
0x8b: {  	s10 =	simm.s32 $0x400;
	s11 =	simm.s32 $0x11380;
	s31 =	simm.s32 $0x2  }
0x8c: {  	[spmem:s4] =	stream.strided.scatter [tilespmem:s11], [sflag:$0x2], $0x2800, s10, s9, $0x38;
	[tilespmem:$0x1EA80] =	vst v63  }
0x8d: {  	_ =	swait.ge [sflag:s31], $0x2800  }
0x8e: {  	[sflag:s31] =	ssyncset.done $0x0  }
0x8f: {  	s12 =	simm.s32 $0x13B80;
	[sflag:s31] =	ssyncadd.s32 $0xFFFFD800  }
0x90: {  	[spmem:s8] =	stream.strided.scatter [tilespmem:s12], [sflag:$0x2], $0x2800, s10, s9, $0x38;
	[tilespmem:$0x1EA80] =	vst v63  }
0x91: {  	_ =	swait.ge [sflag:s31], $0x2800  }
0x92: {  	[sflag:s31] =	ssyncset.done $0x0  }
0x93: {  	v0 =	vimm.f32 $0.0e+00;
	s8 =	simm.s32 $0x113A0;
	[sflag:s31] =	ssyncadd.s32 $0xFFFFD800  }
0x94: {  	[tilespmem:s8+$0xFFFFFFE0] =	vst v0  }
0x95: {  	[tilespmem:s8+$0x10] =	vst v0  }
0x96: {  	s9 =	simm.s32 $0x0;
	[tilespmem:s8+$0x0] =	vst v0  }
.LBB2_7:
0x97: {  	s9 =	sadd.s32 $0x4, s9  }
0x98: {  	[tilespmem:s8+$0xFFFFFFF0] =	vst v0;
	s8 =	sadd.s32 $0x40, s8;
	p0 =	slt.u32 s9, $0x27C  }
.Ltmp3:
0x99: {  	[tilespmem:s8+$0xFFFFFFE0] =	vst v0;
	(pc) =	sbr.rel @p0 .LBB2_7-.Ltmp3, $3  }
0x9a: {  	_ =	sdelay $0x1  }
0x9b: {  	[tilespmem:s8+$0x10] =	vst v0  }
0x9c: {  	[tilespmem:s8+$0x0] =	vst v0  }
0x9d: {  	[tilespmem:s8+$0xFFFFFFF0] =	vst v0;
	s18 =	simm.s32 $0x1400;
	s9 =	simm.s32 $0x14000;
	s10 =	simm.s32 $0x16380  }
0x9e: {  	s19 =	simm.s32 $0x2;
	s13 =	simm.s32 $0x0;
	[bflag:$0x0] =	sbarrier.arrive $0xFFFF  }
0x9f: {  	[tilespmem:s10], [sflag:$0x2] =	stream.strided.gather [spmem:s3], $0x2800, s9, s18, $0x38;
	[tilespmem:$0x1EA80] =	vst v63  }
0xa0: {  	s9 =	sand.u32 $0x60, s13;
	s10 =	sand.u32 $0x1C00, s13;
	_ =	swait.ge [sflag:s19], $0x2800  }
0xa1: {  	s11 =	sor.u32 $0x16380, s10;
	s12 =	sor.u32 $0x10, s9;
	[sflag:s19] =	ssyncset.done $0x0  }
0xa2: {  	s20 =	sor.u32 s12, s11;
	[sflag:s19] =	ssyncadd.s32 $0xFFFFD800  }
0xa3: {  	v0 =	vld [tilespmem:s20+$0x0]  }
0xa4: {  	s11 =	sor.u32 s9, s11;
	v1 =	vld [tilespmem:s20+$0x80]  }
0xa5: {  	v2 =	vld [tilespmem:s11+$0x0]  }
0xa6: {  	v3 =	vld [tilespmem:s20+$0x100]  }
0xa7: {  	v4 =	vld [tilespmem:s11+$0x80]  }
0xa8: {  	v5 =	vld [tilespmem:s20+$0x180]  }
0xa9: {  	v6 =	vld [tilespmem:s11+$0x100]  }
0xaa: {  	v7 =	vld [tilespmem:s20+$0x200]  }
0xab: {  	v8 =	vld [tilespmem:s11+$0x180]  }
0xac: {  	v9 =	vld [tilespmem:s20+$0x280]  }
0xad: {  	v10 =	vld [tilespmem:s11+$0x200]  }
0xae: {  	v11 =	vld [tilespmem:s20+$0x300]  }
0xaf: {  	v12 =	vld [tilespmem:s11+$0x280]  }
0xb0: {  	s14 =	sadd.s32 $0x17780, s10;
	v13 =	vld [tilespmem:s20+$0x380]  }
0xb1: {  	s21 =	sor.u32 s12, s14;
	v14 =	vld [tilespmem:s11+$0x300]  }
0xb2: {  	s15 =	sadd.s32 $0x17800, s10;
	v15 =	vld [tilespmem:s21+$0x0]  }
0xb3: {  	s22 =	sor.u32 s12, s15;
	v16 =	vld [tilespmem:s11+$0x380]  }
0xb4: {  	s24 =	sadd.s32 $0x17880, s10;
	s23 =	sor.u32 s9, s14;
	v17 =	vld [tilespmem:s22+$0x0]  }
0xb5: {  	s25 =	sor.u32 s12, s24;
	v18 =	vld [tilespmem:s23+$0x0]  }
0xb6: {  	s28 =	sadd.s32 $0x17900, s10;
	s26 =	sor.u32 s9, s15;
	v19 =	vld [tilespmem:s25+$0x0]  }
0xb7: {  	s29 =	sor.u32 s12, s28;
	v20 =	vld [tilespmem:s26+$0x0]  }
0xb8: {  	s30 =	sor.u32 s9, s24;
	v21 =	vld [tilespmem:s29+$0x0]  }
0xb9: {  	s16 =	sadd.s32 $0x17A00, s10;
	s15 =	sor.u32 s9, s28;
	v22 =	vld [tilespmem:s30+$0x0]  }
0xba: {  	s31 =	sadd.s32 $0x17980, s10;
	s17 =	sor.u32 s12, s16;
	v24 =	vld [tilespmem:s15+$0x0]  }
0xbb: {  	s8 =	simm.s32 $0x20;
	s18 =	sor.u32 s9, s31;
	s19 =	sadd.s32 $0x17A80, s10;
	v25 =	vld [tilespmem:s17+$0x0]  }
0xbc: {  	s11 =	sor.u32 s12, s31;
	v26 =	vld [tilespmem:s18+$0x0];
	s21 =	sor.u32 s9, s16;
	s16 =	simm.s32 $0x100  }
0xbd: {  	s20 =	sor.u32 s12, s19;
	s22 =	sadd.s32 $0x17B00, s10;
	v23 =	vld [tilespmem:s11+$0x0];
	s14 =	sand.u32 $0x1C00, s16  }
0xbe: {  	s17 =	sor.u32 s9, s19;
	s10 =	sand.u32 $0x60, s8;
	v27 =	vld [tilespmem:s20+$0x0];
	s25 =	sor.u32 $0x16380, s14  }
0xbf: {  	v28 =	vld [tilespmem:s21+$0x0];
	s24 =	sor.u32 s9, s22;
	s9 =	sor.u32 $0x10, s10;
	s28 =	sor.u32 s10, s25;
	v0 =	vadd.f32 v1, v0  }
0xc0: {  	s26 =	sor.u32 s9, s25;
	v49 =	vld [tilespmem:s28+$0x80];
	v1 =	vadd.f32 v4, v2  }
0xc1: {  	v50 =	vld [tilespmem:s26+$0x180];
	v0 =	vadd.f32 v3, v0  }
0xc2: {  	v51 =	vld [tilespmem:s26+$0x200];
	v1 =	vadd.f32 v6, v1  }
0xc3: {  	v6 =	vld [tilespmem:s26+$0x0];
	v0 =	vadd.f32 v5, v0  }
0xc4: {  	v1 =	vadd.f32 v8, v1;
	v5 =	vld [tilespmem:s26+$0x80]  }
0xc5: {  	v52 =	vld [tilespmem:s26+$0x280];
	v0 =	vadd.f32 v7, v0  }
0xc6: {  	v1 =	vadd.f32 v10, v1;
	v7 =	vld [tilespmem:s26+$0x100]  }
0xc7: {  	v8 =	vld [tilespmem:s28+$0x0];
	v0 =	vadd.f32 v9, v0  }
0xc8: {  	v53 =	vld [tilespmem:s28+$0x200];
	v1 =	vadd.f32 v12, v1  }
0xc9: {  	v5 =	vadd.f32 v5, v6;
	v6 =	vld [tilespmem:s28+$0x100];
	v0 =	vadd.f32 v11, v0  }
0xca: {  	v54 =	vld [tilespmem:s26+$0x300];
	v1 =	vadd.f32 v14, v1  }
0xcb: {  	s29 =	sadd.s32 $0x17780, s14;
	v5 =	vadd.f32 v7, v5;
	v7 =	vld [tilespmem:s28+$0x180];
	v0 =	vadd.f32 v13, v0  }
0xcc: {  	s30 =	sor.u32 s9, s29;
	v55 =	vld [tilespmem:s26+$0x380];
	v8 =	vadd.f32 v49, v8;
	v1 =	vadd.f32 v16, v1  }
0xcd: {  	v56 =	vld [tilespmem:s30+$0x0];
	v5 =	vadd.f32 v50, v5;
	v0 =	vadd.f32 v15, v0  }
0xce: {  	s31 =	sadd.s32 $0x17800, s14;
	v57 =	vld [tilespmem:s28+$0x380];
	v1 =	vadd.f32 v18, v1;
	v6 =	vadd.f32 v6, v8  }
0xcf: {  	s16 =	sor.u32 s9, s31;
	v8 =	vld [tilespmem:s28+$0x280];
	v5 =	vadd.f32 v51, v5;
	v0 =	vadd.f32 v17, v0  }
0xd0: {  	s18 =	sadd.s32 $0x17880, s14;
	v58 =	vld [tilespmem:s16+$0x0];
	v1 =	vadd.f32 v20, v1;
	v6 =	vadd.f32 v7, v6  }
0xd1: {  	s19 =	sor.u32 s9, s18;
	v7 =	vld [tilespmem:s28+$0x300];
	v5 =	vadd.f32 v52, v5;
	v0 =	vadd.f32 v19, v0  }
0xd2: {  	s23 =	sor.u32 s12, s22;
	v59 =	vld [tilespmem:s19+$0x0];
	v1 =	vadd.f32 v22, v1;
	v6 =	vadd.f32 v53, v6  }
0xd3: {  	v2 =	vld [tilespmem:s23+$0x0];
	v5 =	vadd.f32 v54, v5;
	v0 =	vadd.f32 v21, v0  }
0xd4: {  	s15 =	sor.u32 s10, s29;
	v4 =	vld [tilespmem:s17+$0x0];
	v1 =	vadd.f32 v24, v1;
	v6 =	vadd.f32 v8, v6  }
0xd5: {  	v8 =	vld [tilespmem:s15+$0x0];
	v5 =	vadd.f32 v55, v5;
	v0 =	vadd.f32 v23, v0  }
0xd6: {  	s21 =	sadd.s32 $0x17900, s14;
	s20 =	sor.u32 s10, s31;
	v3 =	vld [tilespmem:s24+$0x0];
	v1 =	vadd.f32 v26, v1;
	v6 =	vadd.f32 v7, v6  }
0xd7: {  	s22 =	sor.u32 s9, s21;
	v7 =	vld [tilespmem:s20+$0x0];
	v5 =	vadd.f32 v56, v5;
	v0 =	vadd.f32 v25, v0  }
0xd8: {  	v60 =	vld [tilespmem:s22+$0x0];
	s23 =	sor.u32 s10, s18;
	s24 =	sadd.s32 $0x17980, s14;
	v1 =	vadd.f32 v28, v1;
	v6 =	vadd.f32 v57, v6  }
0xd9: {  	v61 =	vld [tilespmem:s23+$0x0];
	s25 =	sor.u32 s9, s24;
	v5 =	vadd.f32 v58, v5;
	v62 =	vadd.f32 v27, v0  }
0xda: {  	v63 =	vld [tilespmem:s25+$0x0];
	s26 =	sor.u32 s10, s21;
	s28 =	sadd.s32 $0x17A00, s14;
	v1 =	vadd.f32 v4, v1;
	v4 =	vadd.f32 v8, v6  }
0xdb: {  	s11 =	simm.s32 $0x18E00;
	s29 =	sor.u32 s9, s28;
	v0 =	vld [tilespmem:s26+$0x0];
	v5 =	vadd.f32 v59, v5;
	v6 =	vadd.f32 v2, v62  }
0xdc: {  	s19 =	sadd.s32 $0x17A80, s14;
	s18 =	sand.u32 $0x380, s13;
	s16 =	sor.u32 s10, s24;
	v8 =	vadd.f32 v3, v1;
	v1 =	vld [tilespmem:s29+$0x0];
	v4 =	vadd.f32 v7, v4  }
0xdd: {  	s30 =	sor.u32 s9, s19;
	s17 =	sadd.s32 $0x17B00, s14;
	s12 =	sor.u32 s12, s18;
	v2 =	vld [tilespmem:s16+$0x0];
	v5 =	vadd.f32 v60, v5  }
0xde: {  	s13 =	simm.s32 $0x2;
	s18 =	sor.u32 s9, s17;
	s31 =	sor.u32 s10, s28;
	v3 =	vld [tilespmem:s30+$0x0];
	[tilespmem:s12+$0x18E00] =	vst v6;
	v6 =	vadd.f32 v61, v4  }
0xdf: {  	s14 =	simm.s32 $0x40;
	s16 =	sor.u32 s10, s19;
	[tilespmem:s11+$0x0] =	vst v8;
	v4 =	vld [tilespmem:s31+$0x0];
	s12 =	simm.s32 $0x200;
	v5 =	vadd.f32 v63, v5  }
.LBB2_9:
0xe0: {  	s15 =	sand.u32 $0x1C00, s12;
	v0 =	vadd.f32 v0, v6;
	s17 =	sor.u32 s10, s17;
	s10 =	sand.u32 $0x60, s14;
	v6 =	vld [tilespmem:s18+$0x0]  }
0xe1: {  	s13 =	sadd.s32 $0x2, s13;
	s18 =	sor.u32 $0x16380, s15;
	s19 =	sor.u32 $0x10, s10;
	v7 =	vld [tilespmem:s16+$0x0];
	v1 =	vadd.f32 v1, v5  }
0xe2: {  	p0 =	slt.u32 s13, $0x26;
	s16 =	sor.u32 s10, s18;
	s18 =	sor.u32 s19, s18;
	v0 =	vadd.f32 v2, v0;
	v2 =	vld [tilespmem:s17+$0x0]  }
0xe3: {  	v5 =	vld [tilespmem:s18+$0x0];
	v1 =	vadd.f32 v3, v1  }
0xe4: {  	v3 =	vld [tilespmem:s18+$0x80];
	v0 =	vadd.f32 v4, v0  }
0xe5: {  	s17 =	sand.u32 $0x380, s8;
	s8 =	smov.u32 s14;
	v4 =	vld [tilespmem:s16+$0x0];
	v1 =	vadd.f32 v6, v1  }
0xe6: {  	s17 =	sor.u32 s9, s17;
	s9 =	smov.u32 s19;
	v6 =	vld [tilespmem:s18+$0x100];
	v0 =	vadd.f32 v7, v0  }
0xe7: {  	v7 =	vld [tilespmem:s16+$0x80];
	[tilespmem:s17+$0x18E00] =	vst v1  }
0xe8: {  	v1 =	vld [tilespmem:s18+$0x180];
	v0 =	vadd.f32 v2, v0  }
0xe9: {  	s11 =	sadd.s32 $0x20, s11;
	v2 =	vld [tilespmem:s16+$0x100];
	v3 =	vadd.f32 v3, v5  }
0xea: {  	v5 =	vld [tilespmem:s18+$0x200];
	[tilespmem:s11+$0x0] =	vst v0  }
0xeb: {  	v0 =	vld [tilespmem:s16+$0x180];
	v3 =	vadd.f32 v6, v3  }
0xec: {  	v4 =	vadd.f32 v7, v4;
	v6 =	vld [tilespmem:s18+$0x280]  }
0xed: {  	v7 =	vld [tilespmem:s16+$0x200];
	v1 =	vadd.f32 v1, v3  }
0xee: {  	v2 =	vadd.f32 v2, v4;
	v3 =	vld [tilespmem:s18+$0x300]  }
0xef: {  	v4 =	vld [tilespmem:s16+$0x280];
	v1 =	vadd.f32 v5, v1  }
0xf0: {  	s17 =	sadd.s32 $0x17780, s15;
	v0 =	vadd.f32 v0, v2;
	v2 =	vld [tilespmem:s18+$0x380]  }
0xf1: {  	s18 =	sor.u32 s10, s17;
	s17 =	sor.u32 s9, s17;
	v5 =	vld [tilespmem:s16+$0x300];
	v1 =	vadd.f32 v6, v1  }
0xf2: {  	s19 =	sadd.s32 $0x17800, s15;
	v0 =	vadd.f32 v7, v0;
	v6 =	vld [tilespmem:s17+$0x0]  }
0xf3: {  	s17 =	sor.u32 s9, s19;
	v7 =	vld [tilespmem:s16+$0x380];
	s16 =	sor.u32 s10, s19;
	v1 =	vadd.f32 v3, v1  }
0xf4: {  	s19 =	sadd.s32 $0x17880, s15;
	v0 =	vadd.f32 v4, v0;
	v3 =	vld [tilespmem:s17+$0x0]  }
0xf5: {  	s17 =	sor.u32 s10, s19;
	v4 =	vld [tilespmem:s18+$0x0];
	v1 =	vadd.f32 v2, v1;
	s18 =	sor.u32 s9, s19  }
0xf6: {  	s19 =	sadd.s32 $0x17900, s15;
	v0 =	vadd.f32 v5, v0;
	v2 =	vld [tilespmem:s18+$0x0]  }
0xf7: {  	s18 =	sor.u32 s9, s19;
	v5 =	vld [tilespmem:s16+$0x0];
	s16 =	sor.u32 s10, s19;
	v1 =	vadd.f32 v6, v1  }
0xf8: {  	s19 =	sadd.s32 $0x17980, s15;
	v0 =	vadd.f32 v7, v0;
	v6 =	vld [tilespmem:s18+$0x0]  }
0xf9: {  	s18 =	sor.u32 s9, s19;
	v7 =	vld [tilespmem:s17+$0x0];
	s17 =	sor.u32 s10, s19;
	v1 =	vadd.f32 v3, v1  }
0xfa: {  	s19 =	sadd.s32 $0x17A00, s15;
	v3 =	vadd.f32 v4, v0;
	v8 =	vld [tilespmem:s18+$0x0]  }
.Ltmp4:
0xfb: {  	s18 =	sor.u32 s10, s19;
	v0 =	vld [tilespmem:s16+$0x0];
	v4 =	vadd.f32 v2, v1;
	s16 =	sor.u32 s9, s19;
	(pc) =	sbr.rel @p0 .LBB2_9-.Ltmp4, $4  }
0xfc: {  	s19 =	sadd.s32 $0x17A80, s15;
	v3 =	vadd.f32 v5, v3;
	v1 =	vld [tilespmem:s16+$0x0]  }
0xfd: {  	s16 =	sor.u32 s10, s19;
	s19 =	sor.u32 s9, s19;
	v2 =	vld [tilespmem:s17+$0x0];
	v5 =	vadd.f32 v6, v4  }
0xfe: {  	s17 =	sadd.s32 $0x17B00, s15;
	v6 =	vadd.f32 v7, v3;
	v3 =	vld [tilespmem:s19+$0x0]  }
0xff: {  	s12 =	sadd.s32 $0x100, s12;
	s14 =	sadd.s32 $0x20, s14;
	v4 =	vld [tilespmem:s18+$0x0];
	v5 =	vadd.f32 v8, v5;
	s18 =	sor.u32 s9, s17  }
0x100: {  	v0 =	vadd.f32 v0, v6  }
0x101: {  	v6 =	vld [tilespmem:s16+$0x0]  }
0x102: {  	s10 =	sor.u32 s10, s17;
	v7 =	vld [tilespmem:s18+$0x0];
	v0 =	vadd.f32 v2, v0  }
0x103: {  	v1 =	vadd.f32 v1, v5;
	v2 =	vld [tilespmem:s10+$0x0]  }
0x104: {  	v0 =	vadd.f32 v4, v0  }
0x105: {  	v1 =	vadd.f32 v3, v1  }
0x106: {  	v0 =	vadd.f32 v6, v0  }
0x107: {  	s8 =	sand.u32 $0x380, s8;
	v1 =	vadd.f32 v7, v1  }
0x108: {  	s8 =	sor.u32 s9, s8;
	v0 =	vadd.f32 v2, v0  }
0x109: {  	s16 =	sadd.s32 $0x20, s11;
	[tilespmem:s8+$0x18E00] =	vst v1  }
0x10a: {  	s17 =	simm.s32 $0x1400;
	s18 =	simm.s32 $0x14000;
	s19 =	simm.s32 $0x16380;
	[tilespmem:s16+$0x0] =	vst v0  }
0x10b: {  	[tilespmem:s19], [sflag:$0x2] =	stream.strided.gather [spmem:s7], $0x2800, s18, s17, $0x38;
	[tilespmem:$0x1EA80] =	vst v63  }
0x10c: {  	s20 =	simm.s32 $0x2;
	s7 =	simm.s32 $0x0  }
0x10d: {  	_ =	swait.ge [sflag:s20], $0x2800;
	s12 =	sand.u32 $0x60, s7;
	s9 =	sand.u32 $0x1C00, s7  }
0x10e: {  	[sflag:s20] =	ssyncset.done $0x0;
	s21 =	sor.u32 $0x16380, s9;
	s10 =	sor.u32 $0x10, s12  }
0x10f: {  	[sflag:s20] =	ssyncadd.s32 $0xFFFFD800;
	s22 =	sor.u32 s10, s21  }
0x110: {  	v9 =	vld [tilespmem:s22+$0x0]  }
0x111: {  	s11 =	sor.u32 s12, s21;
	v10 =	vld [tilespmem:s22+$0x80]  }
0x112: {  	v0 =	vld [tilespmem:s11+$0x0]  }
0x113: {  	v11 =	vld [tilespmem:s22+$0x100]  }
0x114: {  	v12 =	vld [tilespmem:s11+$0x80]  }
0x115: {  	v13 =	vld [tilespmem:s22+$0x180]  }
0x116: {  	v14 =	vld [tilespmem:s11+$0x100]  }
0x117: {  	v15 =	vld [tilespmem:s22+$0x200]  }
0x118: {  	v16 =	vld [tilespmem:s22+$0x280]  }
0x119: {  	v17 =	vld [tilespmem:s11+$0x180]  }
0x11a: {  	v18 =	vld [tilespmem:s22+$0x300]  }
0x11b: {  	v19 =	vld [tilespmem:s11+$0x200]  }
0x11c: {  	s13 =	sadd.s32 $0x17780, s9;
	v20 =	vld [tilespmem:s22+$0x380]  }
0x11d: {  	s23 =	sor.u32 s10, s13;
	v21 =	vld [tilespmem:s11+$0x280]  }
0x11e: {  	s14 =	sadd.s32 $0x17800, s9;
	v8 =	vld [tilespmem:s23+$0x0]  }
0x11f: {  	s24 =	sor.u32 s10, s14;
	v22 =	vld [tilespmem:s11+$0x300]  }
0x120: {  	s15 =	sadd.s32 $0x17880, s9;
	v7 =	vld [tilespmem:s24+$0x0]  }
0x121: {  	s25 =	sor.u32 s10, s15;
	v23 =	vld [tilespmem:s11+$0x380]  }
0x122: {  	s28 =	sadd.s32 $0x17900, s9;
	s26 =	sor.u32 s12, s13;
	v6 =	vld [tilespmem:s25+$0x0]  }
0x123: {  	s29 =	sor.u32 s10, s28;
	v24 =	vld [tilespmem:s26+$0x0]  }
0x124: {  	s30 =	sor.u32 s12, s14;
	v3 =	vld [tilespmem:s29+$0x0]  }
0x125: {  	s17 =	sadd.s32 $0x17A00, s9;
	s16 =	sor.u32 s12, s15;
	v25 =	vld [tilespmem:s30+$0x0]  }
0x126: {  	s18 =	sor.u32 s10, s17;
	v26 =	vld [tilespmem:s16+$0x0]  }
0x127: {  	s31 =	sadd.s32 $0x17980, s9;
	s19 =	sor.u32 s12, s28;
	v5 =	vld [tilespmem:s18+$0x0]  }
0x128: {  	s20 =	sadd.s32 $0x17A80, s9;
	s11 =	sor.u32 s10, s31;
	v27 =	vld [tilespmem:s19+$0x0]  }
0x129: {  	s21 =	sor.u32 s10, s20;
	v4 =	vld [tilespmem:s11+$0x0]  }
0x12a: {  	s22 =	sor.u32 s12, s31;
	v2 =	vld [tilespmem:s21+$0x0]  }
0x12b: {  	s25 =	sor.u32 s12, s17;
	v28 =	vld [tilespmem:s22+$0x0]  }
0x12c: {  	s23 =	sadd.s32 $0x17B00, s9;
	s26 =	simm.s32 $0x100;
	s13 =	sor.u32 s12, s20;
	v29 =	vld [tilespmem:s25+$0x0]  }
0x12d: {  	s24 =	sor.u32 s10, s23;
	s11 =	simm.s32 $0x20;
	s9 =	sand.u32 $0x1C00, s26;
	v30 =	vld [tilespmem:s13+$0x0]  }
0x12e: {  	s14 =	sor.u32 s12, s23;
	v1 =	vld [tilespmem:s24+$0x0];
	s8 =	sand.u32 $0x60, s11;
	s28 =	sor.u32 $0x16380, s9  }
0x12f: {  	v31 =	vld [tilespmem:s14+$0x0];
	s13 =	sor.u32 s8, s28  }
0x130: {  	v50 =	vld [tilespmem:s13+$0x0]  }
0x131: {  	v51 =	vld [tilespmem:s13+$0x80]  }
0x132: {  	v52 =	vld [tilespmem:s13+$0x100]  }
0x133: {  	v53 =	vld [tilespmem:s13+$0x180]  }
0x134: {  	v54 =	vld [tilespmem:s13+$0x200]  }
0x135: {  	v55 =	vld [tilespmem:s13+$0x280]  }
0x136: {  	s7 =	sand.u32 $0x380, s7;
	s30 =	sadd.s32 $0x17780, s9;
	v57 =	vld [tilespmem:s13+$0x300]  }
0x137: {  	s10 =	sor.u32 s7, s10;
	s15 =	sadd.s32 $0x17800, s9;
	s7 =	sor.u32 s8, s30;
	v59 =	vld [tilespmem:s13+$0x380]  }
0x138: {  	s12 =	sor.u32 $0x10, s8;
	s21 =	sor.u32 s8, s15;
	v61 =	vld [tilespmem:s7+$0x0]  }
0x139: {  	s29 =	sor.u32 s12, s28;
	v63 =	vld [tilespmem:s21+$0x0]  }
0x13a: {  	v49 =	vld [tilespmem:s29+$0x0]  }
0x13b: {  	v0 =	vadd.f32 v12, v0;
	v32 =	vld [tilespmem:s29+$0x80]  }
0x13c: {  	v33 =	vld [tilespmem:s29+$0x100]  }
0x13d: {  	v34 =	vld [tilespmem:s29+$0x180];
	v0 =	vadd.f32 v14, v0  }
0x13e: {  	v35 =	vld [tilespmem:s29+$0x200]  }
0x13f: {  	v36 =	vld [tilespmem:s29+$0x280];
	v9 =	vadd.f32 v10, v9;
	v0 =	vadd.f32 v17, v0  }
0x140: {  	v37 =	vld [tilespmem:s29+$0x300]  }
0x141: {  	s31 =	sor.u32 s12, s30;
	v38 =	vld [tilespmem:s29+$0x380];
	v9 =	vadd.f32 v11, v9;
	v0 =	vadd.f32 v19, v0  }
0x142: {  	s17 =	sadd.s32 $0x17880, s9;
	s16 =	sor.u32 s12, s15;
	v39 =	vld [tilespmem:s31+$0x0]  }
0x143: {  	s19 =	sadd.s32 $0x17900, s9;
	s18 =	sor.u32 s12, s17;
	v58 =	vld [tilespmem:s16+$0x0];
	v9 =	vadd.f32 v13, v9;
	v21 =	vadd.f32 v21, v0  }
0x144: {  	s22 =	sadd.s32 $0x17980, s9;
	s20 =	sor.u32 s12, s19;
	v60 =	vld [tilespmem:s18+$0x0];
	v14 =	vadd.f32 v51, v50;
	v12 =	vadd.f32 v32, v49  }
0x145: {  	s25 =	sadd.s32 $0x17A00, s9;
	v62 =	vld [tilespmem:s20+$0x0];
	s31 =	sor.u32 s8, s22;
	v9 =	vadd.f32 v15, v9;
	v21 =	vadd.f32 v22, v21  }
0x146: {  	s29 =	sadd.s32 $0x17A80, s9;
	s18 =	sor.u32 s8, s25;
	v41 =	vld [tilespmem:s31+$0x0];
	v14 =	vadd.f32 v52, v14;
	v12 =	vadd.f32 v33, v12  }
0x147: {  	s9 =	sadd.s32 $0x17B00, s9;
	s30 =	sor.u32 s12, s29;
	v43 =	vld [tilespmem:s18+$0x0];
	v9 =	vadd.f32 v16, v9;
	v21 =	vadd.f32 v23, v21  }
0x148: {  	s15 =	sor.u32 s12, s9;
	v40 =	vld [tilespmem:s30+$0x0];
	v14 =	vadd.f32 v53, v14;
	v12 =	vadd.f32 v34, v12  }
0x149: {  	s28 =	sor.u32 s8, s19;
	s19 =	sor.u32 s8, s29;
	v42 =	vld [tilespmem:s15+$0x0];
	v9 =	vadd.f32 v18, v9;
	v21 =	vadd.f32 v24, v21  }
0x14a: {  	s24 =	sor.u32 s8, s17;
	v44 =	vld [tilespmem:s19+$0x0];
	v14 =	vadd.f32 v54, v14;
	v12 =	vadd.f32 v35, v12  }
0x14b: {  	s26 =	sor.u32 s12, s25;
	s7 =	simm.s32 $0x40;
	s20 =	simm.s32 $0x200;
	v32 =	vld [tilespmem:s24+$0x0];
	v9 =	vadd.f32 v20, v9;
	v56 =	vadd.f32 v25, v21  }
0x14c: {  	s13 =	sand.u32 $0x60, s7;
	s14 =	sand.u32 $0x1C00, s20;
	v33 =	vld [tilespmem:s26+$0x0];
	v14 =	vadd.f32 v55, v14;
	v12 =	vadd.f32 v36, v12  }
0x14d: {  	s21 =	sor.u32 s8, s9;
	s9 =	sor.u32 $0x10, s13;
	s24 =	sadd.s32 $0x17780, s14;
	v0 =	vld [tilespmem:s10+$0x18E00];
	v8 =	vadd.f32 v8, v9;
	v10 =	vadd.f32 v26, v56  }
0x14e: {  	s25 =	sor.u32 s9, s24;
	s26 =	sadd.s32 $0x17800, s14;
	v34 =	vld [tilespmem:s28+$0x0];
	v14 =	vadd.f32 v57, v14;
	v12 =	vadd.f32 v37, v12  }
0x14f: {  	s28 =	sor.u32 s9, s26;
	v54 =	vld [tilespmem:s25+$0x0];
	v7 =	vadd.f32 v7, v8;
	v10 =	vadd.f32 v27, v10  }
0x150: {  	s23 =	sor.u32 s12, s22;
	s22 =	sor.u32 $0x16380, s14;
	v55 =	vld [tilespmem:s28+$0x0];
	v11 =	vadd.f32 v59, v14;
	v12 =	vadd.f32 v38, v12  }
0x151: {  	v6 =	vadd.f32 v6, v7;
	v10 =	vadd.f32 v28, v10;
	v28 =	vld [tilespmem:s23+$0x0];
	s23 =	sor.u32 s9, s22  }
0x152: {  	v11 =	vadd.f32 v61, v11;
	v12 =	vadd.f32 v39, v12;
	v7 =	vld [tilespmem:s23+$0x0]  }
0x153: {  	v3 =	vadd.f32 v3, v6;
	v46 =	vld [tilespmem:s23+$0x80]  }
0x154: {  	v8 =	vld [tilespmem:s21+$0x0];
	v11 =	vadd.f32 v63, v11;
	v12 =	vadd.f32 v58, v12  }
0x155: {  	s15 =	sor.u32 s13, s22;
	v3 =	vadd.f32 v4, v3;
	v47 =	vld [tilespmem:s23+$0x100]  }
0x156: {  	v6 =	vld [tilespmem:s15+$0x0];
	v11 =	vadd.f32 v32, v11;
	v12 =	vadd.f32 v60, v12  }
0x157: {  	v48 =	vld [tilespmem:s23+$0x180];
	v10 =	vadd.f32 v29, v10;
	v3 =	vadd.f32 v5, v3  }
0x158: {  	v4 =	vld [tilespmem:s15+$0x80];
	v11 =	vadd.f32 v34, v11;
	v5 =	vadd.f32 v46, v7  }
0x159: {  	v49 =	vld [tilespmem:s23+$0x200];
	v12 =	vadd.f32 v62, v12;
	v10 =	vadd.f32 v30, v10  }
0x15a: {  	v2 =	vadd.f32 v2, v3;
	v7 =	vld [tilespmem:s15+$0x100];
	v3 =	vadd.f32 v47, v5  }
0x15b: {  	v50 =	vld [tilespmem:s23+$0x280];
	v11 =	vadd.f32 v41, v11;
	v12 =	vadd.f32 v28, v12  }
0x15c: {  	v1 =	vadd.f32 v1, v2;
	v2 =	vadd.f32 v48, v3;
	v3 =	vld [tilespmem:s15+$0x180]  }
0x15d: {  	v51 =	vld [tilespmem:s23+$0x300];
	v4 =	vadd.f32 v4, v6;
	v12 =	vadd.f32 v33, v12  }
0x15e: {  	v6 =	vld [tilespmem:s15+$0x200];
	v10 =	vadd.f32 v31, v10;
	v1 =	vmax.f32 v1, $1.000000000e+00;
	v2 =	vadd.f32 v49, v2  }
0x15f: {  	s31 =	sadd.s32 $0x17900, s14;
	v52 =	vld [tilespmem:s23+$0x380];
	v12 =	vadd.f32 v40, v12;
	(erf) = vrcp.f32 v1;
	v4 =	vadd.f32 v7, v4  }
0x160: {  	s19 =	sor.u32 s9, s31;
	v9 =	vadd.f32 v43, v11;
	v7 =	vld [tilespmem:s15+$0x280];
	v2 =	vadd.f32 v50, v2  }
0x161: {  	s29 =	sadd.s32 $0x17880, s14;
	v57 =	vld [tilespmem:s19+$0x0];
	v53 =	vadd.f32 v42, v12;
	v3 =	vadd.f32 v3, v4  }
0x162: {  	s17 =	simm.s32 $0x18B80;
	s30 =	sor.u32 s9, s29;
	v10 =	vmax.f32 v10, $1.000000000e+00;
	v9 =	vadd.f32 v44, v9;
	v4 =	vld [tilespmem:s15+$0x300];
	v2 =	vadd.f32 v51, v2  }
0x163: {  	s21 =	sadd.s32 $0x17980, s14;
	v56 =	vld [tilespmem:s30+$0x0];
	[tilespmem:s17+$0x0] =	vst v10;
	(erf) = vrcp.f32 v10;
	v10 =	vmax.f32 v53, $1.000000000e+00;
	v3 =	vadd.f32 v6, v3  }
0x164: {  	s11 =	sand.u32 $0x380, s11;
	s22 =	sor.u32 s9, s21;
	v8 =	vadd.f32 v8, v9;
	(erf) = vrcp.f32 v10;
	v6 =	vld [tilespmem:s15+$0x380];
	v2 =	vadd.f32 v52, v2  }
0x165: {  	s12 =	sor.u32 s11, s12;
	s11 =	sor.u32 s13, s24;
	v59 =	vld [tilespmem:s22+$0x0];
	v3 =	vadd.f32 v7, v3  }
0x166: {  	s8 =	simm.s32 $0x18E00;
	v8 =	vmax.f32 v8, $1.000000000e+00;
	v7 =	vld [tilespmem:s11+$0x0];
	v2 =	vadd.f32 v54, v2  }
0x167: {  	s20 =	sor.u32 s13, s26;
	v45 =	vld [tilespmem:s8+$0x0];
	(erf) = vrcp.f32 v8;
	v3 =	vadd.f32 v4, v3  }
0x168: {  	v58 =	vpop (erf);
	v4 =	vld [tilespmem:s20+$0x0];
	v2 =	vadd.f32 v55, v2  }
0x169: {  	s24 =	sadd.s32 $0x17A00, s14;
	s23 =	sor.u32 s13, s29;
	v5 =	vld [tilespmem:s12+$0x18E00];
	v0 =	vmul.f32 v58, v0;
	v3 =	vadd.f32 v6, v3  }
0x16a: {  	s25 =	sor.u32 s9, s24;
	v6 =	vld [tilespmem:s23+$0x0];
	v2 =	vadd.f32 v56, v2  }
0x16b: {  	s26 =	sor.u32 s13, s31;
	s28 =	sadd.s32 $0x17A80, s14;
	v62 =	vld [tilespmem:s25+$0x0];
	[tilespmem:s10+$0x18E00] =	vst v0;
	v0 =	vadd.f32 v7, v3  }
0x16c: {  	s29 =	sor.u32 s9, s28;
	[tilespmem:s10+$0x18B80] =	vst v1;
	v1 =	vld [tilespmem:s26+$0x0];
	v60 =	vpop (erf);
	s10 =	simm.s32 $0x18BA0;
	v7 =	vadd.f32 v57, v2  }
0x16d: {  	s14 =	sadd.s32 $0x17B00, s14;
	s30 =	sor.u32 s13, s21;
	v61 =	vmul.f32 v60, v45;
	[tilespmem:s10+$0x0] =	vst v8;
	v2 =	vld [tilespmem:s29+$0x0];
	v3 =	vpop (erf);
	v8 =	vadd.f32 v4, v0  }
0x16e: {  	s31 =	sor.u32 s9, s14;
	[tilespmem:s12+$0x18B80] =	vst v10;
	v5 =	vmul.f32 v3, v5;
	v3 =	vld [tilespmem:s30+$0x0];
	v63 =	vadd.f32 v59, v7  }
0x16f: {  	s18 =	sor.u32 s13, s24;
	s16 =	sor.u32 s13, s28;
	s17 =	sor.u32 s13, s14;
	[tilespmem:s8+$0x0] =	vst v61;
	v4 =	vld [tilespmem:s31+$0x0];
	v7 =	vadd.f32 v6, v8  }
0x170: {  	s13 =	simm.s32 $0x60;
	s11 =	simm.s32 $0x4;
	v0 =	vpop (erf);
	[tilespmem:s12+$0x18E00] =	vst v5;
	v5 =	vld [tilespmem:s18+$0x0];
	v6 =	vadd.f32 v62, v63;
	s12 =	simm.s32 $0x300  }
.LBB2_11:
0x171: {  	s14 =	sand.u32 $0x60, s13;
	s15 =	sand.u32 $0x1C00, s12;
	v1 =	vadd.f32 v1, v7;
	v7 =	vld [tilespmem:s16+$0x0];
	s8 =	sadd.s32 $0x20, s8  }
0x172: {  	s11 =	sadd.s32 $0x2, s11;
	s18 =	sor.u32 $0x16380, s15;
	s19 =	sor.u32 $0x10, s14;
	v8 =	vld [tilespmem:s17+$0x0];
	v2 =	vadd.f32 v2, v6  }
0x173: {  	p0 =	slt.u32 s11, $0x26;
	s16 =	sor.u32 s14, s18;
	s17 =	sor.u32 s19, s18;
	v1 =	vadd.f32 v3, v1;
	v3 =	vld [tilespmem:s8+$0x0]  }
0x174: {  	v6 =	vld [tilespmem:s17+$0x0];
	v2 =	vadd.f32 v4, v2  }
0x175: {  	v4 =	vld [tilespmem:s17+$0x80];
	v1 =	vadd.f32 v5, v1  }
0x176: {  	v5 =	vld [tilespmem:s16+$0x0];
	v2 =	vmax.f32 v2, $1.000000000e+00  }
0x177: {  	v9 =	vld [tilespmem:s17+$0x100];
	v1 =	vadd.f32 v7, v1;
	(erf) = vrcp.f32 v2  }
0x178: {  	v7 =	vld [tilespmem:s16+$0x80];
	v0 =	vmul.f32 v0, v3  }
0x179: {  	v3 =	vld [tilespmem:s17+$0x180];
	v1 =	vadd.f32 v8, v1  }
0x17a: {  	s18 =	sand.u32 $0x380, s7;
	s7 =	smov.u32 s13;
	v8 =	vld [tilespmem:s16+$0x100];
	v4 =	vadd.f32 v4, v6;
	[tilespmem:s8+$0x0] =	vst v0  }
0x17b: {  	s10 =	sadd.s32 $0x20, s10;
	s18 =	sor.u32 s18, s9;
	s9 =	smov.u32 s19;
	v0 =	vld [tilespmem:s17+$0x200];
	v1 =	vmax.f32 v1, $1.000000000e+00  }
0x17c: {  	v4 =	vadd.f32 v9, v4;
	[tilespmem:s10+$0x0] =	vst v1;
	v6 =	vld [tilespmem:s18+$0x18E00];
	(erf) = vrcp.f32 v1  }
0x17d: {  	v1 =	vadd.f32 v7, v5;
	v5 =	vld [tilespmem:s17+$0x280];
	[tilespmem:s18+$0x18B80] =	vst v2  }
0x17e: {  	v2 =	vld [tilespmem:s16+$0x180];
	v9 =	vadd.f32 v3, v4  }
0x17f: {  	v1 =	vadd.f32 v8, v1;
	v4 =	vld [tilespmem:s17+$0x300]  }
0x180: {  	v7 =	vld [tilespmem:s16+$0x200];
	v0 =	vadd.f32 v0, v9;
	v3 =	vpop (erf)  }
0x181: {  	s19 =	sadd.s32 $0x17780, s15;
	v8 =	vld [tilespmem:s17+$0x380];
	v3 =	vmul.f32 v3, v6  }
0x182: {  	s17 =	sor.u32 s14, s19;
	s19 =	sor.u32 s9, s19;
	v6 =	vld [tilespmem:s16+$0x280];
	v9 =	vadd.f32 v5, v0  }
0x183: {  	s20 =	sadd.s32 $0x17800, s15;
	v1 =	vadd.f32 v2, v1;
	v2 =	vld [tilespmem:s19+$0x0];
	[tilespmem:s18+$0x18E00] =	vst v3  }
0x184: {  	s18 =	sor.u32 s14, s20;
	s19 =	sor.u32 s9, s20;
	v3 =	vld [tilespmem:s16+$0x300];
	v4 =	vadd.f32 v4, v9  }
0x185: {  	s20 =	sadd.s32 $0x17880, s15;
	v1 =	vadd.f32 v7, v1;
	v5 =	vld [tilespmem:s19+$0x0];
	v0 =	vpop (erf)  }
0x186: {  	s19 =	sor.u32 s9, s20;
	v7 =	vld [tilespmem:s16+$0x380];
	s16 =	sor.u32 s14, s20;
	v4 =	vadd.f32 v8, v4  }
0x187: {  	s20 =	sadd.s32 $0x17900, s15;
	v1 =	vadd.f32 v6, v1;
	v6 =	vld [tilespmem:s19+$0x0]  }
0x188: {  	s19 =	sor.u32 s9, s20;
	v8 =	vld [tilespmem:s17+$0x0];
	s17 =	sor.u32 s14, s20;
	v2 =	vadd.f32 v2, v4  }
0x189: {  	s20 =	sadd.s32 $0x17980, s15;
	v1 =	vadd.f32 v3, v1;
	v3 =	vld [tilespmem:s19+$0x0]  }
0x18a: {  	s19 =	sor.u32 s9, s20;
	v4 =	vld [tilespmem:s18+$0x0];
	s18 =	sor.u32 s14, s20;
	v2 =	vadd.f32 v5, v2  }
0x18b: {  	s20 =	sadd.s32 $0x17A00, s15;
	v1 =	vadd.f32 v7, v1;
	v5 =	vld [tilespmem:s19+$0x0]  }
0x18c: {  	s19 =	sor.u32 s14, s20;
	v7 =	vld [tilespmem:s16+$0x0];
	v2 =	vadd.f32 v6, v2;
	s16 =	sor.u32 s9, s20  }
0x18d: {  	s20 =	sadd.s32 $0x17A80, s15;
	v6 =	vadd.f32 v8, v1;
	v8 =	vld [tilespmem:s16+$0x0]  }
.Ltmp5:
0x18e: {  	s16 =	sor.u32 s14, s20;
	v1 =	vld [tilespmem:s17+$0x0];
	v9 =	vadd.f32 v3, v2;
	s17 =	sor.u32 s9, s20;
	(pc) =	sbr.rel @p0 .LBB2_11-.Ltmp5, $4  }
0x18f: {  	s15 =	sadd.s32 $0x17B00, s15;
	v4 =	vadd.f32 v4, v6;
	v2 =	vld [tilespmem:s17+$0x0]  }
0x190: {  	s17 =	sor.u32 s14, s15;
	s14 =	sor.u32 s9, s15;
	v3 =	vld [tilespmem:s18+$0x0];
	v6 =	vadd.f32 v5, v9  }
0x191: {  	v7 =	vadd.f32 v7, v4;
	v4 =	vld [tilespmem:s14+$0x0]  }
0x192: {  	s12 =	sadd.s32 $0x100, s12;
	s13 =	sadd.s32 $0x20, s13;
	v5 =	vld [tilespmem:s19+$0x0];
	v6 =	vadd.f32 v8, v6  }
0x193: {  	v1 =	vadd.f32 v1, v7  }
0x194: {  	v7 =	vld [tilespmem:s16+$0x0]  }
0x195: {  	v1 =	vadd.f32 v3, v1  }
0x196: {  	v3 =	vld [tilespmem:s17+$0x0]  }
0x197: {  	v1 =	vadd.f32 v5, v1  }
0x198: {  	v2 =	vadd.f32 v2, v6  }
0x199: {  	v1 =	vadd.f32 v7, v1  }
0x19a: {  	v2 =	vadd.f32 v4, v2  }
0x19b: {  	v1 =	vadd.f32 v3, v1  }
0x19c: {  	v2 =	vmax.f32 v2, $1.000000000e+00  }
0x19d: {  	(erf) = vrcp.f32 v2;
	v1 =	vmax.f32 v1, $1.000000000e+00  }
0x19e: {  	(erf) = vrcp.f32 v1  }
0x19f: {  	s8 =	sadd.s32 $0x20, s8  }
0x1a0: {  	s7 =	sand.u32 $0x380, s7;
	v3 =	vld [tilespmem:s8+$0x0]  }
0x1a1: {  	s26 =	sadd.s32 $0x20, s10;
	s7 =	sor.u32 s7, s9  }
0x1a2: {  	s28 =	sadd.s32 $0x20, s8;
	[tilespmem:s26+$0x0] =	vst v1;
	v1 =	vld [tilespmem:s7+$0x18E00]  }
0x1a3: {  	v4 =	vld [tilespmem:s28+$0x0];
	_ =	sdelay $0x1  }
0x1a4: {  	v0 =	vmul.f32 v0, v3  }
0x1a5: {  	v3 =	vpop (erf)  }
0x1a6: {  	[tilespmem:s8+$0x0] =	vst v0;
	v0 =	vmul.f32 v3, v1;
	v1 =	vpop (erf)  }
0x1a7: {  	[tilespmem:s7+$0x18B80] =	vst v2;
	v1 =	vmul.f32 v1, v4  }
0x1a8: {  	[tilespmem:s7+$0x18E00] =	vst v0  }
0x1a9: {  	s29 =	simm.s32 $0x18E00;
	s30 =	simm.s32 $0x2;
	[tilespmem:s28+$0x0] =	vst v1  }
0x1aa: {  	[spmem:s6] =	stream.linear.scatter [tilespmem:s29], [sflag:$0x2], $0x280, $0x38;
	[tilespmem:$0x1EA80] =	vst v63  }
0x1ab: {  	_ =	swait.ge [sflag:s30], $0x280  }
0x1ac: {  	[sflag:s30] =	ssyncset.done $0x0  }
0x1ad: {  	[sflag:s30] =	ssyncadd.s32 $0xFFFFFD80  }
0x1ae: {  	s6 =	simm.s32 $0x0;
	[bflag:$0x0] =	sbarrier.arrive $0xFFFF  }
0x1af: {  	[tilespmem:s6], [sflag:$0x2] =	stream.linear.gather [spmem:s5], $0x2800, $0x38;
	[tilespmem:$0x1EA80] =	vst v63  }
0x1b0: {  	_ =	swait.ge [sflag:s30], $0x2800  }
0x1b1: {  	[sflag:s30] =	ssyncset.done $0x0  }
0x1b2: {  	s31 =	simm.s32 $0x2820;
	[sflag:s30] =	ssyncadd.s32 $0xFFFFD800  }
0x1b3: {  	s5 =	simm.s32 $0x76A0;
	v3 =	vld [tilespmem:s31+$0x10]  }
0x1b4: {  	v4 =	vld [tilespmem:s5+$0x10]  }
0x1b5: {  	v0 =	vld [tilespmem:s5+$0xFFFFFFE0]  }
0x1b6: {  	v5 =	vld [tilespmem:s31+$0xFFFFFFF0]  }
0x1b7: {  	v1 =	vld [tilespmem:s5+$0xFFFFFFF0]  }
0x1b8: {  	v6 =	vld [tilespmem:s31+$0x0]  }
0x1b9: {  	v2 =	vld [tilespmem:s5+$0x0]  }
0x1ba: {  	s7 =	simm.s32 $0xC520;
	v7 =	vld [tilespmem:s31+$0xFFFFFFE0]  }
0x1bb: {  	v10 =	vld [tilespmem:s7+$0x10]  }
0x1bc: {  	v13 =	vld [tilespmem:s7+$0xFFFFFFE0]  }
0x1bd: {  	v3 =	vld.idx.msk [tilespmem:v3+s6+$0x0], $0xffff  }
0x1be: {  	v8 =	vld.idx.msk [tilespmem:v4+s6+$0x0], $0xffff  }
0x1bf: {  	v9 =	vld.idx.msk [tilespmem:v0+s6+$0x0], $0xffff  }
0x1c0: {  	v5 =	vld.idx.msk [tilespmem:v5+s6+$0x0], $0xffff  }
0x1c1: {  	v11 =	vld.idx.msk [tilespmem:v1+s6+$0x0], $0xffff  }
0x1c2: {  	v6 =	vld.idx.msk [tilespmem:v6+s6+$0x0], $0xffff  }
0x1c3: {  	v7 =	vld.idx.msk [tilespmem:v7+s6+$0x0], $0xffff  }
0x1c4: {  	v12 =	vld.idx.msk [tilespmem:v2+s6+$0x0], $0xffff  }
0x1c5: {  	v3 =	vsub.f32 v8, v3;
	v8 =	vld [tilespmem:s7+$0xFFFFFFF0];
	_ =	sdelay $0x1  }
0x1c6: {  	v63 =	vsub.f32 v11, v5;
	v5 =	vld [tilespmem:s7+$0x0]  }
0x1c7: {  	v7 =	vsub.f32 v9, v7;
	v3 =	vmul.f32 v3, v10  }
0x1c8: {  	s8 =	simm.s32 $0x11380;
	v6 =	vsub.f32 v12, v6  }
0x1c9: {  	s10 =	simm.s32 $0x2860;
	s9 =	simm.s32 $0x0;
	[tilespmem:v4+s8+$0x0] =	vst.idx.add.f32.msk $0xffff, v3;
	v4 =	vmul.f32 v7, v13;
	v3 =	vmul.f32 v63, v8  }
.LBB2_13:
0x1ca: {  	v7 =	vld [tilespmem:s10+$0x10];
	s5 =	sadd.s32 $0x40, s5  }
0x1cb: {  	s9 =	sadd.s32 $0x4, s9;
	v8 =	vld [tilespmem:s5+$0x10];
	v9 =	vmul.f32 v6, v5  }
0x1cc: {  	p0 =	slt.u32 s9, $0x4DC;
	v6 =	vld [tilespmem:s5+$0xFFFFFFE0]  }
0x1cd: {  	v5 =	vld [tilespmem:s10+$0xFFFFFFF0]  }
0x1ce: {  	v10 =	vld [tilespmem:s5+$0xFFFFFFF0]  }
0x1cf: {  	v11 =	vld [tilespmem:s10+$0x0]  }
0x1d0: {  	v12 =	vld [tilespmem:s5+$0x0]  }
0x1d1: {  	v13 =	vld [tilespmem:s10+$0xFFFFFFE0]  }
0x1d2: {  	v7 =	vld.idx.msk [tilespmem:v7+s6+$0x0], $0xffff  }
0x1d3: {  	v14 =	vld.idx.msk [tilespmem:v8+s6+$0x0], $0xffff  }
0x1d4: {  	v15 =	vld.idx.msk [tilespmem:v6+s6+$0x0], $0xffff  }
0x1d5: {  	s7 =	sadd.s32 $0x40, s7;
	v5 =	vld.idx.msk [tilespmem:v5+s6+$0x0], $0xffff  }
0x1d6: {  	v16 =	vld [tilespmem:s7+$0x10]  }
0x1d7: {  	v17 =	vld.idx.msk [tilespmem:v10+s6+$0x0], $0xffff  }
0x1d8: {  	v11 =	vld.idx.msk [tilespmem:v11+s6+$0x0], $0xffff  }
0x1d9: {  	v7 =	vsub.f32 v14, v7;
	v13 =	vld.idx.msk [tilespmem:v13+s6+$0x0], $0xffff  }
0x1da: {  	v14 =	vld.idx.msk [tilespmem:v12+s6+$0x0], $0xffff  }
0x1db: {  	v18 =	vld [tilespmem:s7+$0xFFFFFFE0];
	v7 =	vmul.f32 v7, v16  }
0x1dc: {  	v16 =	vld [tilespmem:s7+$0xFFFFFFF0]  }
.Ltmp6:
0x1dd: {  	v17 =	vsub.f32 v17, v5;
	[tilespmem:v8+s8+$0x0] =	vst.idx.add.f32.msk $0xffff, v7;
	(pc) =	sbr.rel @p0 .LBB2_13-.Ltmp6, $4  }
0x1de: {  	v5 =	vld [tilespmem:s7+$0x0]  }
0x1df: {  	v7 =	vsub.f32 v15, v13;
	[tilespmem:v0+s8+$0x0] =	vst.idx.add.f32.msk $0xffff, v4;
	v0 =	vmov v6  }
0x1e0: {  	v6 =	vsub.f32 v14, v11;
	[tilespmem:v1+s8+$0x0] =	vst.idx.add.f32.msk $0xffff, v3;
	v1 =	vmov v10  }
0x1e1: {  	s10 =	sadd.s32 $0x40, s10;
	v4 =	vmul.f32 v7, v18;
	v3 =	vmul.f32 v17, v16;
	[tilespmem:v2+s8+$0x0] =	vst.idx.add.f32.msk $0xffff, v9;
	v2 =	vmov v12  }
0x1e2: {  	_ =	sdelay $0x3  }
0x1e3: {  	v5 =	vmul.f32 v6, v5;
	[tilespmem:v0+s8+$0x0] =	vst.idx.add.f32.msk $0xffff, v4  }
0x1e4: {  	[tilespmem:v1+s8+$0x0] =	vst.idx.add.f32.msk $0xffff, v3  }
0x1e5: {  	s5 =	simm.s32 $0x0;
	s6 =	simm.s32 $0x11380;
	s7 =	simm.s32 $0x0;
	[tilespmem:v2+s8+$0x0] =	vst.idx.add.f32.msk $0xffff, v5  }
.LBB2_15:
0x1e6: {  	s8 =	sshra.s32 s7, $0x2  }
0x1e7: {  	v0 =	vld [tilespmem:s8+$0x7600]  }
0x1e8: {  	v1 =	vld [tilespmem:s8+$0xC480];
	_ =	sdelay $0x6  }
0x1e9: {  	v0 =	vld.idx.msk [tilespmem:v0+s5+$0x0], $0xffff  }
0x1ea: {  	v2 =	vld.idx.msk [tilespmem:v1+s5+$0x0], $0xffff;
	_ =	sdelay $0x1  }
0x1eb: {  	v3 =	vld [tilespmem:s8+$0x11300];
	_ =	sdelay $0x1  }
0x1ec: {  	p0 =	sne.s32 s7, $0x40  }
.Ltmp7:
0x1ed: {  	v0 =	vsub.f32 v2, v0;
	(pc) =	sbr.rel @p0 .LBB2_15-.Ltmp7, $3  }
0x1ee: {  	_ = 	snop  }
0x1ef: {  	v0 =	vmul.f32 v0, v3;
	_ =	sdelay $0x1  }
0x1f0: {  	s7 =	sadd.s32 $0x40, s7;
	[tilespmem:v1+s6+$0x0] =	vst.idx.add.f32.msk $0xffff, v0  }
0x1f1: {  	s5 =	simm.s32 $0x80  }
0x1f2: {  	s6 =	simm.s32 $0x400;
	s7 =	simm.s32 $0x11380;
	s20 =	simm.s32 $0x2  }
0x1f3: {  	[spmem:s4] =	stream.strided.scatter [tilespmem:s7], [sflag:$0x2], $0x2800, s6, s5, $0x38;
	[tilespmem:$0x1EA80] =	vst v63  }
0x1f4: {  	_ =	swait.ge [sflag:s20], $0x2800  }
0x1f5: {  	[sflag:s20] =	ssyncset.done $0x0  }
0x1f6: {  	s21 =	simm.s32 $0x1400;
	[sflag:s20] =	ssyncadd.s32 $0xFFFFD800  }
0x1f7: {  	s22 =	simm.s32 $0x14000;
	s23 =	simm.s32 $0x16380;
	[bflag:$0x0] =	sbarrier.arrive $0xFFFF  }
0x1f8: {  	[tilespmem:s23], [sflag:$0x2] =	stream.strided.gather [spmem:s3], $0x2800, s22, s21, $0x38;
	[tilespmem:$0x1EA80] =	vst v63  }
0x1f9: {  	s24 =	simm.s32 $0x0;
	s28 =	simm.s32 $0x18B80;
	_ =	swait.ge [sflag:s20], $0x2800  }
0x1fa: {  	s25 =	sand.u32 $0x60, s24;
	s26 =	sand.u32 $0x1C00, s24;
	[sflag:s20] =	ssyncset.done $0x0  }
0x1fb: {  	s29 =	sor.u32 $0x16380, s26;
	s8 =	sor.u32 $0x10, s25;
	[sflag:s20] =	ssyncadd.s32 $0xFFFFD800  }
0x1fc: {  	s30 =	sor.u32 s8, s29;
	v0 =	vld [tilespmem:s28+$0x0]  }
0x1fd: {  	v1 =	vld [tilespmem:s30+$0x0]  }
0x1fe: {  	s7 =	sor.u32 s25, s29;
	v2 =	vld [tilespmem:s30+$0x80]  }
0x1ff: {  	v3 =	vld [tilespmem:s7+$0x0]  }
0x200: {  	v4 =	vld [tilespmem:s30+$0x100]  }
0x201: {  	v5 =	vld [tilespmem:s7+$0x80]  }
0x202: {  	v6 =	vld [tilespmem:s30+$0x180]  }
0x203: {  	v7 =	vld [tilespmem:s7+$0x100]  }
0x204: {  	v8 =	vld [tilespmem:s30+$0x200]  }
0x205: {  	v9 =	vld [tilespmem:s7+$0x180]  }
0x206: {  	v10 =	vld [tilespmem:s30+$0x280]  }
0x207: {  	v11 =	vld [tilespmem:s7+$0x200]  }
0x208: {  	v12 =	vld [tilespmem:s30+$0x300]  }
0x209: {  	v13 =	vld [tilespmem:s7+$0x280]  }
0x20a: {  	s9 =	sadd.s32 $0x17780, s26;
	v14 =	vld [tilespmem:s30+$0x380]  }
0x20b: {  	s31 =	sor.u32 s8, s9;
	v15 =	vld [tilespmem:s7+$0x300]  }
0x20c: {  	v16 =	vld [tilespmem:s31+$0x0]  }
0x20d: {  	s11 =	sadd.s32 $0x17880, s26;
	s9 =	sor.u32 s25, s9;
	v17 =	vld [tilespmem:s7+$0x380]  }
0x20e: {  	s12 =	sadd.s32 $0x17900, s26;
	s13 =	sor.u32 s8, s11;
	v19 =	vld [tilespmem:s9+$0x0]  }
0x20f: {  	s10 =	sadd.s32 $0x17800, s26;
	s14 =	sor.u32 s8, s12;
	v20 =	vld [tilespmem:s13+$0x0]  }
0x210: {  	s16 =	sadd.s32 $0x17980, s26;
	s15 =	sor.u32 s25, s10;
	v21 =	vld [tilespmem:s14+$0x0]  }
0x211: {  	s18 =	sadd.s32 $0x17B00, s26;
	s17 =	sor.u32 s8, s16;
	v23 =	vld [tilespmem:s15+$0x0]  }
0x212: {  	s20 =	sor.u32 s8, s18;
	v24 =	vld [tilespmem:s17+$0x0]  }
0x213: {  	s6 =	sor.u32 s25, s12;
	v27 =	vld [tilespmem:s20+$0x0]  }
0x214: {  	s21 =	sor.u32 s25, s16;
	v32 =	vld [tilespmem:s6+$0x0]  }
0x215: {  	s23 =	simm.s32 $0x18E00;
	v33 =	vld [tilespmem:s21+$0x0]  }
0x216: {  	s7 =	sor.u32 s8, s10;
	v36 =	vld [tilespmem:s23+$0x0]  }
0x217: {  	s5 =	sand.u32 $0x380, s24;
	s9 =	sor.u32 s25, s11;
	v18 =	vld [tilespmem:s7+$0x0]  }
0x218: {  	s11 =	sadd.s32 $0x17A00, s26;
	s7 =	sor.u32 s5, s8;
	v25 =	vld [tilespmem:s9+$0x0]  }
0x219: {  	s4 =	sadd.s32 $0x17A80, s26;
	s19 =	sor.u32 s8, s11;
	v22 =	vld [tilespmem:s7+$0x18B80]  }
0x21a: {  	s8 =	sor.u32 s8, s4;
	v26 =	vld [tilespmem:s19+$0x0]  }
0x21b: {  	v28 =	vld [tilespmem:s8+$0x0]  }
0x21c: {  	v29 =	vld [tilespmem:s7+$0x19080]  }
0x21d: {  	s3 =	sor.u32 s25, s18;
	s26 =	simm.s32 $0x20;
	v30 =	vld [tilespmem:s7+$0x19300]  }
0x21e: {  	s22 =	sor.u32 s25, s11;
	s4 =	sor.u32 s25, s4;
	s6 =	sand.u32 $0x60, s26;
	v31 =	vld [tilespmem:s7+$0x18E00];
	v1 =	vadd.f32 v2, v1  }
0x21f: {  	s25 =	simm.s32 $0x100;
	s5 =	sand.u32 $0x380, s26;
	v34 =	vld [tilespmem:s22+$0x0];
	s31 =	sor.u32 $0x10, s6  }
0x220: {  	v35 =	vld [tilespmem:s4+$0x0];
	s28 =	sand.u32 $0x1C00, s25;
	s5 =	sor.u32 s5, s31;
	v1 =	vadd.f32 v4, v1  }
0x221: {  	s30 =	sor.u32 $0x16380, s28;
	v60 =	vld [tilespmem:s5+$0x19080];
	v3 =	vadd.f32 v5, v3  }
0x222: {  	s12 =	sor.u32 s31, s30;
	v61 =	vld [tilespmem:s5+$0x19300];
	v6 =	vadd.f32 v6, v1  }
0x223: {  	v3 =	vadd.f32 v7, v3;
	v7 =	vld [tilespmem:s12+$0x0]  }
0x224: {  	v6 =	vadd.f32 v8, v6;
	v8 =	vld [tilespmem:s12+$0x80]  }
0x225: {  	v2 =	vld [tilespmem:s3+$0x0]  }
0x226: {  	v6 =	vadd.f32 v10, v6;
	v10 =	vld [tilespmem:s12+$0x100]  }
0x227: {  	v45 =	vld [tilespmem:s12+$0x180];
	v3 =	vadd.f32 v9, v3  }
0x228: {  	v46 =	vld [tilespmem:s12+$0x200]  }
0x229: {  	s10 =	sor.u32 s6, s30;
	v47 =	vld [tilespmem:s12+$0x280];
	v3 =	vadd.f32 v11, v3;
	v7 =	vadd.f32 v8, v7  }
0x22a: {  	v48 =	vld [tilespmem:s10+$0x200]  }
0x22b: {  	v49 =	vld [tilespmem:s12+$0x300];
	v3 =	vadd.f32 v13, v3;
	v7 =	vadd.f32 v10, v7  }
0x22c: {  	v9 =	vld [tilespmem:s10+$0x0];
	v6 =	vadd.f32 v12, v6  }
0x22d: {  	v11 =	vld [tilespmem:s10+$0x80];
	v3 =	vadd.f32 v15, v3;
	v7 =	vadd.f32 v45, v7  }
0x22e: {  	v50 =	vld [tilespmem:s10+$0x280];
	v6 =	vadd.f32 v14, v6  }
0x22f: {  	v8 =	vld [tilespmem:s10+$0x100];
	v3 =	vadd.f32 v17, v3;
	v7 =	vadd.f32 v46, v7  }
0x230: {  	s13 =	sadd.s32 $0x17780, s28;
	v51 =	vld [tilespmem:s12+$0x380];
	v6 =	vadd.f32 v16, v6  }
0x231: {  	s14 =	sor.u32 s31, s13;
	v10 =	vld [tilespmem:s10+$0x180];
	v3 =	vadd.f32 v19, v3;
	v7 =	vadd.f32 v47, v7  }
0x232: {  	s12 =	sadd.s32 $0x17800, s28;
	v9 =	vadd.f32 v11, v9;
	v11 =	vld [tilespmem:s14+$0x0];
	v6 =	vadd.f32 v18, v6  }
0x233: {  	v52 =	vld [tilespmem:s10+$0x300];
	s15 =	sor.u32 s31, s12;
	v3 =	vadd.f32 v23, v3;
	v7 =	vadd.f32 v49, v7  }
0x234: {  	s17 =	sadd.s32 $0x17880, s28;
	v8 =	vadd.f32 v8, v9;
	v9 =	vld [tilespmem:s15+$0x0];
	v6 =	vadd.f32 v20, v6  }
0x235: {  	s19 =	sor.u32 s31, s17;
	v53 =	vld [tilespmem:s10+$0x380];
	(erf) = vrcp.f32 v22;
	v3 =	vadd.f32 v25, v3;
	v7 =	vadd.f32 v51, v7  }
0x236: {  	s3 =	simm.s32 $0x19300;
	(erf) = vrcp.f32 v0;
	v0 =	vadd.f32 v10, v8;
	v8 =	vld [tilespmem:s19+$0x0];
	v6 =	vadd.f32 v21, v6  }
0x237: {  	s24 =	simm.s32 $0x19080;
	s18 =	sadd.s32 $0x17900, s28;
	v5 =	vld [tilespmem:s3+$0x0];
	v3 =	vadd.f32 v32, v3;
	v7 =	vadd.f32 v11, v7  }
0x238: {  	s20 =	sor.u32 s31, s18;
	v4 =	vld [tilespmem:s24+$0x0];
	v0 =	vadd.f32 v48, v0;
	v6 =	vadd.f32 v24, v6  }
0x239: {  	v10 =	vld [tilespmem:s20+$0x0];
	v3 =	vadd.f32 v33, v3;
	v7 =	vadd.f32 v9, v7  }
0x23a: {  	s22 =	sadd.s32 $0x17980, s28;
	s16 =	sor.u32 s6, s13;
	v0 =	vadd.f32 v50, v0;
	v6 =	vadd.f32 v26, v6;
	v11 =	vld [tilespmem:s5+$0x18B80]  }
0x23b: {  	s23 =	sor.u32 s31, s22;
	s13 =	sadd.s32 $0x17A00, s28;
	v54 =	vld [tilespmem:s16+$0x0];
	v3 =	vadd.f32 v34, v3;
	v7 =	vadd.f32 v8, v7  }
0x23c: {  	v55 =	vld [tilespmem:s23+$0x0];
	s25 =	sor.u32 s31, s13;
	v0 =	vadd.f32 v52, v0;
	v6 =	vadd.f32 v28, v6  }
0x23d: {  	v58 =	vld [tilespmem:s25+$0x0];
	v4 =	vsub.f32 v4, v5;
	s21 =	sor.u32 s6, s12;
	v3 =	vadd.f32 v35, v3  }
0x23e: {  	s8 =	sadd.s32 $0x17A80, s28;
	s11 =	sor.u32 s6, s17;
	v5 =	vmul.f32 v36, v5;
	v0 =	vadd.f32 v53, v0;
	v9 =	vld [tilespmem:s21+$0x0];
	v6 =	vadd.f32 v27, v6  }
0x23f: {  	s4 =	sor.u32 s31, s8;
	v2 =	vadd.f32 v2, v3;
	v8 =	vld [tilespmem:s11+$0x0];
	(erf) = vrcp.f32 v11;
	v3 =	vadd.f32 v10, v7;
	v7 =	vpop (erf)  }
0x240: {  	s24 =	sadd.s32 $0x17B00, s28;
	v56 =	vsub.f32 v29, v30;
	v4 =	vmul.f32 $1.000000000e+02, v4;
	v6 =	vmul.f32 v7, v6;
	v7 =	vld [tilespmem:s4+$0x0]  }
0x241: {  	v62 =	vld [tilespmem:s5+$0x18E00];
	v57 =	vmul.f32 v31, v30;
	s26 =	sor.u32 s31, s24;
	v0 =	vadd.f32 v54, v0;
	v3 =	vadd.f32 v55, v3;
	v59 =	vpop (erf)  }
0x242: {  	s29 =	simm.s32 $0x18BA0;
	v4 =	vadd.f32 v5, v4;
	v11 =	vmul.f32 $1.000000000e+02, v56;
	v10 =	vld [tilespmem:s26+$0x0];
	v2 =	vmul.f32 v59, v2  }
0x243: {  	v1 =	vld [tilespmem:s29+$0x0];
	s28 =	sor.u32 s6, s18;
	v0 =	vadd.f32 v9, v0;
	v3 =	vadd.f32 v58, v3  }
0x244: {  	s29 =	sor.u32 s6, s22;
	v11 =	vadd.f32 v57, v11;
	v9 =	vld [tilespmem:s28+$0x0];
	v6 =	vmul.f32 $9.999999770e-03, v6;
	v2 =	vmul.f32 $9.999999770e-03, v2  }
0x245: {  	s30 =	sor.u32 s6, s13;
	v5 =	vld [tilespmem:s29+$0x0];
	v0 =	vadd.f32 v8, v0;
	v7 =	vadd.f32 v7, v3  }
0x246: {  	s8 =	sor.u32 s6, s8;
	v6 =	vsub.f32 v11, v6;
	v11 =	vsub.f32 v4, v2;
	v3 =	vld [tilespmem:s30+$0x0]  }
0x247: {  	s9 =	simm.s32 $0x200;
	s31 =	sor.u32 s6, s24;
	v2 =	vld [tilespmem:s8+$0x0];
	v7 =	vadd.f32 v10, v7;
	v10 =	vsub.f32 v60, v61  }
0x248: {  	s6 =	simm.s32 $0x2;
	(erf) = vrcp.f32 v1;
	s4 =	simm.s32 $0x19580;
	v4 =	vld [tilespmem:s31+$0x0];
	v63 =	vpop (erf);
	s8 =	simm.s32 $0x18E20;
	[tilespmem:s7+$0x19580] =	vst v6;
	v6 =	vmul.f32 v62, v61  }
0x249: {  	s10 =	simm.s32 $0x190A0;
	s11 =	simm.s32 $0x40;
	v8 =	vadd.f32 v9, v0;
	s7 =	simm.s32 $0x18BC0;
	v1 =	vld [tilespmem:s8+$0x0];
	[tilespmem:s4+$0x0] =	vst v11;
	v0 =	vmul.f32 v63, v7;
	v7 =	vmul.f32 $1.000000000e+02, v10  }
.LBB2_17:
0x24a: {  	s12 =	sand.u32 $0x60, s11;
	s14 =	sand.u32 $0x1C00, s9;
	v9 =	vld [tilespmem:s10+$0x0];
	s3 =	sadd.s32 $0x20, s3  }
0x24b: {  	s6 =	sadd.s32 $0x2, s6;
	s16 =	sor.u32 $0x16380, s14;
	s13 =	sor.u32 $0x10, s12;
	v5 =	vadd.f32 v5, v8;
	v8 =	vld [tilespmem:s3+$0x0];
	v6 =	vadd.f32 v6, v7;
	v7 =	vmul.f32 $9.999999770e-03, v0  }
0x24c: {  	p0 =	slt.u32 s6, $0x26;
	s15 =	sor.u32 s12, s16;
	v0 =	vld [tilespmem:s7+$0x0];
	s16 =	sor.u32 s13, s16  }
0x24d: {  	v10 =	vld [tilespmem:s16+$0x0];
	v3 =	vadd.f32 v3, v5;
	v5 =	vsub.f32 v6, v7  }
0x24e: {  	v6 =	vld [tilespmem:s16+$0x80]  }
0x24f: {  	v7 =	vld [tilespmem:s15+$0x0];
	v2 =	vadd.f32 v2, v3;
	[tilespmem:s5+$0x19580] =	vst v5  }
0x250: {  	v3 =	vld [tilespmem:s16+$0x100]  }
0x251: {  	v5 =	vld [tilespmem:s15+$0x80];
	v2 =	vadd.f32 v4, v2;
	v4 =	vsub.f32 v9, v8;
	v9 =	vpop (erf)  }
0x252: {  	v1 =	vmul.f32 v1, v8;
	v11 =	vld [tilespmem:s16+$0x180]  }
0x253: {  	v8 =	vld [tilespmem:s15+$0x100];
	v6 =	vadd.f32 v6, v10;
	v2 =	vmul.f32 v9, v2;
	v4 =	vmul.f32 $1.000000000e+02, v4  }
0x254: {  	v9 =	vld [tilespmem:s16+$0x200]  }
0x255: {  	v10 =	vld [tilespmem:s15+$0x180];
	v3 =	vadd.f32 v3, v6;
	v1 =	vadd.f32 v1, v4;
	v2 =	vmul.f32 $9.999999770e-03, v2  }
0x256: {  	v4 =	vadd.f32 v5, v7;
	v5 =	vld [tilespmem:s16+$0x280]  }
0x257: {  	v6 =	vld [tilespmem:s15+$0x200];
	v3 =	vadd.f32 v11, v3;
	v1 =	vsub.f32 v1, v2  }
0x258: {  	s4 =	sadd.s32 $0x20, s4;
	v2 =	vadd.f32 v8, v4;
	v4 =	vld [tilespmem:s16+$0x300]  }
0x259: {  	v7 =	vld [tilespmem:s15+$0x280];
	v3 =	vadd.f32 v9, v3;
	[tilespmem:s4+$0x0] =	vst v1  }
0x25a: {  	s5 =	sadd.s32 $0x17780, s14;
	v1 =	vadd.f32 v10, v2;
	v2 =	vld [tilespmem:s16+$0x380]  }
0x25b: {  	s16 =	sor.u32 s12, s5;
	s5 =	sor.u32 s13, s5;
	v8 =	vld [tilespmem:s15+$0x300];
	v3 =	vadd.f32 v5, v3  }
0x25c: {  	s17 =	sadd.s32 $0x17800, s14;
	v1 =	vadd.f32 v6, v1;
	v5 =	vld [tilespmem:s5+$0x0]  }
0x25d: {  	s5 =	sor.u32 s13, s17;
	v6 =	vld [tilespmem:s15+$0x380];
	s15 =	sor.u32 s12, s17;
	v3 =	vadd.f32 v4, v3  }
0x25e: {  	s17 =	sadd.s32 $0x17880, s14;
	v1 =	vadd.f32 v7, v1;
	v4 =	vld [tilespmem:s5+$0x0]  }
0x25f: {  	s5 =	sadd.s32 $0x17900, s14;
	v7 =	vld [tilespmem:s16+$0x0];
	s16 =	sor.u32 s12, s17;
	v2 =	vadd.f32 v2, v3;
	s17 =	sor.u32 s13, s17  }
0x260: {  	s18 =	sor.u32 s12, s5;
	s5 =	sor.u32 s13, s5;
	v1 =	vadd.f32 v8, v1;
	v3 =	vld [tilespmem:s17+$0x0];
	s17 =	sand.u32 $0x380, s11  }
0x261: {  	v2 =	vadd.f32 v5, v2;
	v5 =	vld [tilespmem:s5+$0x0];
	s5 =	sor.u32 s17, s13  }
0x262: {  	s17 =	sadd.s32 $0x17980, s14;
	v1 =	vadd.f32 v6, v1;
	v6 =	vld [tilespmem:s5+$0x18B80]  }
0x263: {  	v8 =	vld [tilespmem:s15+$0x0];
	s15 =	sor.u32 s12, s17;
	v2 =	vadd.f32 v4, v2;
	s17 =	sor.u32 s13, s17  }
0x264: {  	s19 =	sadd.s32 $0x17A00, s14;
	v1 =	vadd.f32 v7, v1;
	v4 =	vld [tilespmem:s17+$0x0]  }
0x265: {  	s17 =	sadd.s32 $0x17B00, s14;
	v7 =	vld [tilespmem:s16+$0x0];
	s16 =	sor.u32 s12, s19;
	v2 =	vadd.f32 v3, v2;
	s19 =	sor.u32 s13, s19  }
0x266: {  	s14 =	sadd.s32 $0x17A80, s14;
	s20 =	sor.u32 s12, s17;
	s17 =	sor.u32 s13, s17;
	v3 =	vld [tilespmem:s19+$0x0]  }
0x267: {  	s12 =	sor.u32 s12, s14;
	s13 =	sor.u32 s13, s14;
	v2 =	vadd.f32 v5, v2;
	v9 =	vld [tilespmem:s17+$0x0];
	(erf) = vrcp.f32 v6  }
0x268: {  	v1 =	vadd.f32 v8, v1;
	v6 =	vld [tilespmem:s13+$0x0]  }
0x269: {  	v2 =	vadd.f32 v4, v2;
	v4 =	vld [tilespmem:s5+$0x19080]  }
0x26a: {  	v1 =	vadd.f32 v7, v1;
	v7 =	vld [tilespmem:s5+$0x19300]  }
0x26b: {  	v2 =	vadd.f32 v3, v2;
	v8 =	vld [tilespmem:s5+$0x18E00]  }
0x26c: {  	v10 =	vld [tilespmem:s18+$0x0]  }
.Ltmp8:
0x26d: {  	v5 =	vld [tilespmem:s15+$0x0];
	v6 =	vadd.f32 v6, v2;
	(pc) =	sbr.rel @p0 .LBB2_17-.Ltmp8, $4  }
0x26e: {  	v3 =	vld [tilespmem:s16+$0x0]  }
0x26f: {  	v2 =	vld [tilespmem:s12+$0x0];
	v9 =	vadd.f32 v9, v6;
	v11 =	vsub.f32 v4, v7  }
0x270: {  	s8 =	sadd.s32 $0x20, s8;
	s7 =	sadd.s32 $0x20, s7;
	v4 =	vld [tilespmem:s20+$0x0];
	v6 =	vmul.f32 v8, v7;
	(erf) = vrcp.f32 v0;
	v0 =	vpop (erf)  }
0x271: {  	s9 =	sadd.s32 $0x100, s9;
	s10 =	sadd.s32 $0x20, s10;
	s11 =	sadd.s32 $0x20, s11;
	v8 =	vadd.f32 v10, v1;
	v1 =	vld [tilespmem:s8+$0x0];
	v0 =	vmul.f32 v0, v9;
	v7 =	vmul.f32 $1.000000000e+02, v11  }
0x272: {  	_ = 	snop  }
0x273: {  	v9 =	vld [tilespmem:s10+$0x0];
	s3 =	sadd.s32 $0x20, s3;
	v5 =	vadd.f32 v5, v8  }
0x274: {  	v60 =	vld [tilespmem:s3+$0x0]  }
0x275: {  	v3 =	vadd.f32 v3, v5;
	_ =	sdelay $0x1  }
0x276: {  	v2 =	vadd.f32 v2, v3;
	_ =	sdelay $0x1  }
0x277: {  	v61 =	vsub.f32 v9, v60;
	v2 =	vadd.f32 v4, v2  }
0x278: {  	v1 =	vmul.f32 v1, v60;
	v62 =	vpop (erf)  }
0x279: {  	v3 =	vmul.f32 $1.000000000e+02, v61;
	v2 =	vmul.f32 v62, v2  }
0x27a: {  	v63 =	vadd.f32 v6, v7;
	v0 =	vmul.f32 $9.999999770e-03, v0  }
0x27b: {  	v1 =	vadd.f32 v1, v3;
	v2 =	vmul.f32 $9.999999770e-03, v2  }
0x27c: {  	v0 =	vsub.f32 v63, v0  }
0x27d: {  	v1 =	vsub.f32 v1, v2  }
0x27e: {  	s28 =	sadd.s32 $0x20, s4;
	[tilespmem:s5+$0x19580] =	vst v0  }
0x27f: {  	s29 =	simm.s32 $0x0;
	s30 =	simm.s32 $0x19580;
	s31 =	simm.s32 $0x2;
	[tilespmem:s28+$0x0] =	vst v1  }
0x280: {  	[hbm4b:s2+s29] =	stream.linear.scatter [tilespmem:s30], [sflag:$0x2], $0x280, $0x38;
	[tilespmem:$0x1EA80] =	vst v63  }
0x281: {  	_ =	swait.ge [sflag:s31], $0x280  }
0x282: {  	[sflag:s31] =	ssyncset.done $0x0  }
0x283: {  	[sflag:s31] =	ssyncadd.s32 $0xFFFFFD80  }
0x284: {  	_ =	sfence.sel $0x180000  }
0x285: {  	[bflag:$0x0] =	sbarrier.arrive $0xFFFF  }
0x286: {  	p0 =	sne.s32 s0, $0x0;
	_ =	strace $0x90000047  }
0x287: {  	s0 =	sadd.s32 @!p0 $0x100000, s1;
	[bflag:$0x2] =	sbarrier.arrive $0xFFFF  }
0x288: {  	[sflag:s0] =	ssyncadd.tile.s32 @!p0 $0x1;
	_ =	shalt  }
.Lfunc_end2:
_tile_overlayer_lowered:
.L_overlay_start_2:
0x289: {  	(tag) =	ssettag $0x2  }
0x28a: {  	s0 =	rddreg [dreg:$0x0];
	s2 =	stileid.u32  }
0x28b: {  	s1 =	rddreg [dreg:$0x1];
	p0 =	sne.s32 s2, $0x0  }
0x28c: {  	s3 =	rddreg [dreg:$0x2];
	[bflag:$0x3] =	sbarrier.arrive $0xFFFF;
	s2 =	simm.s32 @!p0 $0x1C02  }
0x28d: {  	[timem:s3], [sflag:s2] =	dma.local @!p0 [hbm:s0], s1  }
0x28e: {  	s0 =	simm.s32 @!p0 $0x2  }
0x28f: {  	_ =	swait.ge @!p0 [sflag:s0], s1  }
0x290: {  	s1 =	ssub.s32 @!p0 $0x0, s1;
	[sflag:s0] =	ssyncset.done @!p0 $0x0  }
0x291: {  	[sflag:s0] =	ssyncadd.s32 @!p0 s1  }
0x292: {  	[bflag:$0x3] =	sbarrier.arrive $0xFFFF  }
0x293: {  	_ =	shalt  }

</sc_bundles>
